<compile_context>
chip_gen: v7x
topology: tpu7x:2x2x1
jax: 0.10.2.dev20260603
libtpu: 0.0.44.dev20260713+nightly
codegen_flags: <defaults>
</compile_context>

<pallas_src>
import functools

import jax
import jax.numpy as jnp
from jax import lax
from jax.experimental import pallas as pl
from jax.experimental.pallas import tpu as pltpu
from jax.experimental.pallas import tpu_sc as plsc

N = 10000
E = 320000
D = 128

NC = 2
NS = 16
NW = NC * NS
EPW = E // NW
C = 128
NCH = -(-EPW // C)
CTAIL = EPW - (NCH - 1) * C
EPAD = C - CTAIL
IROWS = 80
WROWS = 8
NROWS = N + 8
WCH = 80
NZCH = N // WCH
KMAX = -(-NZCH // NS)


def _sc_body(node_hbm, src_hbm, dst_hbm, edge_hbm, out_hbm,
             dst_v, src_w, buf0, buf1, acc_sh, sem0, sem1, sem2):
    cid = lax.axis_index("c")
    sid = lax.axis_index("s")
    wid = sid * NC + cid

    pltpu.sync_copy(dst_hbm.at[wid], dst_v)

    def _zrow(r, _):
        for cc in range(D // 16):
            buf0[r, pl.ds(cc * 16, 16)] = jnp.zeros((16,), jnp.float32)
        return 0
    lax.fori_loop(0, WCH, _zrow, 0)

    def _zchunk(k, _):
        m = sid + k * NS

        @pl.when(m < NZCH)
        def _():
            pltpu.sync_copy(buf0.at[pl.ds(0, WCH)], acc_sh.at[pl.ds(m * WCH, WCH)])
        return 0
    lax.fori_loop(0, KMAX, _zchunk, 0)

    @pl.when(sid == 0)
    def _():
        pltpu.sync_copy(buf0.at[pl.ds(0, NROWS - N)], acc_sh.at[pl.ds(N, NROWS - N)])
    plsc.subcore_barrier()

    HC = C // 2

    def _issue_gather(r):
        pltpu.async_copy(node_hbm.at[src_w.at[r, pl.ds(0, HC)]],
                         buf0.at[pl.ds(0, HC)], sem0)
        pltpu.async_copy(node_hbm.at[src_w.at[r, pl.ds(HC, HC)]],
                         buf0.at[pl.ds(HC, HC)], sem2)

    pltpu.sync_copy(src_hbm.at[wid, pl.ds(0, WROWS)], src_w)
    _issue_gather(0)
    pltpu.async_copy(edge_hbm.at[wid, pl.ds(0, C)], buf1, sem1)

    def _pc(j, _):
        pltpu.make_async_copy(node_hbm.at[src_w.at[0, pl.ds(0, HC)]],
                              buf0.at[pl.ds(0, HC)], sem0).wait()
        pltpu.make_async_copy(node_hbm.at[src_w.at[0, pl.ds(0, HC)]],
                              buf0.at[pl.ds(HC, HC)], sem2).wait()
        pltpu.sync_copy(buf0, acc_sh.at[dst_v.at[j]], add=True)

        @pl.when(jnp.logical_and((j + 1) % WROWS == 0, j + 1 < NCH))
        def _():
            pltpu.sync_copy(
                src_hbm.at[wid, pl.ds(((j + 1) // WROWS) * WROWS, WROWS)], src_w)

        @pl.when(j + 1 < NCH)
        def _():
            _issue_gather((j + 1) % WROWS)

        @pl.when(j < NCH - 1)
        def _():
            pltpu.make_async_copy(edge_hbm.at[wid, pl.ds(0, C)], buf1, sem1).wait()

        @pl.when(j == NCH - 1)
        def _():
            pltpu.make_async_copy(edge_hbm.at[wid, pl.ds(0, CTAIL)],
                                  buf1.at[pl.ds(0, CTAIL)], sem1).wait()
        pltpu.sync_copy(buf1, acc_sh.at[dst_v.at[j]], add=True)

        nj = j + 1

        @pl.when(nj < NCH - 1)
        def _():
            pltpu.async_copy(edge_hbm.at[wid, pl.ds(nj * C, C)], buf1, sem1)

        @pl.when(nj == NCH - 1)
        def _():
            pltpu.async_copy(edge_hbm.at[wid, pl.ds(nj * C, CTAIL)],
                             buf1.at[pl.ds(0, CTAIL)], sem1)
        return 0
    lax.fori_loop(0, NCH, _pc, 0)
    plsc.subcore_barrier()

    def _wchunk(k, _):
        m = sid + k * NS

        @pl.when(m < NZCH)
        def _():
            pltpu.sync_copy(acc_sh.at[pl.ds(m * WCH, WCH)], buf0.at[pl.ds(0, WCH)])
            pltpu.sync_copy(buf0.at[pl.ds(0, WCH)], out_hbm.at[cid, pl.ds(m * WCH, WCH)])
        return 0
    lax.fori_loop(0, KMAX, _wchunk, 0)


@functools.lru_cache(maxsize=1)
def _sc_scatter():
    return functools.partial(
        pl.kernel,
        out_type=jax.ShapeDtypeStruct((NC, N, D), jnp.float32),
        mesh=plsc.VectorSubcoreMesh(core_axis_name="c", subcore_axis_name="s",
                                    num_cores=NC, num_subcores=NS),
        scratch_types=[
            pltpu.VMEM((IROWS, C), jnp.int32),
            pltpu.VMEM((WROWS, C), jnp.int32),
            pltpu.VMEM((C, D), jnp.float32),
            pltpu.VMEM((C, D), jnp.float32),
            pltpu.VMEM_SHARED((NROWS, D), jnp.float32),
            pltpu.SemaphoreType.DMA,
            pltpu.SemaphoreType.DMA,
            pltpu.SemaphoreType.DMA,
        ],
    )(_sc_body)


ROWS = 1000
NT = N // ROWS


def _mlp_pass1_body(eps_ref, x_ref, p0_ref, p1_ref, w1_ref, b1_ref, sums_ref):
    t = pl.program_id(0)
    rst = (1.0 + eps_ref[0]) * x_ref[...] + p0_ref[...] + p1_ref[...]
    h = jnp.dot(rst, w1_ref[...], preferred_element_type=jnp.float32)
    h = h + b1_ref[...]

    @pl.when(t == 0)
    def _():
        sums_ref[...] = jnp.zeros_like(sums_ref)

    sums_ref[0, :] += jnp.sum(h, axis=0)
    sums_ref[1, :] += jnp.sum(h * h, axis=0)


def _mlp_pass2_body(eps_ref, x_ref, p0_ref, p1_ref, w1_ref, b1_ref,
                    sums_ref, g_ref, be_ref, w2_ref, b2_ref, out_ref):
    rst = (1.0 + eps_ref[0]) * x_ref[...] + p0_ref[...] + p1_ref[...]
    h = jnp.dot(rst, w1_ref[...], preferred_element_type=jnp.float32)
    h = h + b1_ref[...]
    mean = sums_ref[0, :] / N
    var = sums_ref[1, :] / N - mean * mean
    hn = (h - mean[None, :]) * jax.lax.rsqrt(var + 1e-5)[None, :]
    hn = hn * g_ref[...] + be_ref[...]
    hn = jnp.maximum(hn, 0.0)
    out = jnp.dot(hn, w2_ref[...], preferred_element_type=jnp.float32)
    out_ref[...] = out + b2_ref[...]


def kernel(node_feat, edge_index, edge_feat, eps, W1, b1, gamma, beta, W2, b2):
    src2 = edge_index[0].reshape(NW, EPW)
    dst2 = edge_index[1].reshape(NW, EPW)
    pad_n = IROWS * C - EPW
    spread = jnp.tile(jnp.arange(8, dtype=jnp.int32) * 16, pad_n // 8 + 1)[:pad_n]
    src3 = jnp.concatenate(
        [src2, jnp.broadcast_to(spread, (NW, pad_n))],
        axis=1).reshape(NW, IROWS, C)
    dst3 = jnp.concatenate(
        [dst2, jnp.broadcast_to(N + spread // 16, (NW, pad_n))],
        axis=1).reshape(NW, IROWS, C)
    edge3 = edge_feat.reshape(NW, EPW, D)

    partials = _sc_scatter()(node_feat, src3, dst3, edge3)
    p0 = partials[0]
    p1 = partials[1]

    b1r = b1.reshape(1, 2 * D)
    b2r = b2.reshape(1, D)

    row_spec = pl.BlockSpec((ROWS, D), lambda t: (t, 0))
    full = lambda s: pl.BlockSpec(s, lambda t: tuple(0 for _ in s))
    eps_spec = pl.BlockSpec(memory_space=pltpu.SMEM)

    sums = pl.pallas_call(
        _mlp_pass1_body,
        grid=(NT,),
        in_specs=[eps_spec, row_spec, row_spec, row_spec,
                  full((D, 2 * D)), full((1, 2 * D))],
        out_specs=full((2, 2 * D)),
        out_shape=jax.ShapeDtypeStruct((2, 2 * D), jnp.float32),
    )(eps, node_feat, p0, p1, W1, b1r)

    out = pl.pallas_call(
        _mlp_pass2_body,
        grid=(NT,),
        in_specs=[eps_spec, row_spec, row_spec, row_spec,
                  full((D, 2 * D)), full((1, 2 * D)), full((2, 2 * D)),
                  full((1, 2 * D)), full((1, 2 * D)), full((2 * D, D)),
                  full((1, D))],
        out_specs=row_spec,
        out_shape=jax.ShapeDtypeStruct((N, D), jnp.float32),
    )(eps, node_feat, p0, p1, W1, b1r, sums, gamma.reshape(1, 2 * D),
      beta.reshape(1, 2 * D), W2, b2r)
    return out

# --- scband reference (transcript-rebuilt; emitter-appended) ---
"""Pipeline reference for scband-gin-40475771797957 (READ-ONLY COPY).

The authoritative reference and input builder live on the scoring server;
editing this copy changes nothing except your own understanding.
"""

import jax, jax.numpy as jnp
import numpy as np

N = 10000
E = 320000
D = 128

def setup_inputs(seed: int = 0) -> dict:
    key = jax.random.key(seed)
    ks = jax.random.split(key, 10)
    node_feat = jax.random.normal(ks[0], (N, D), dtype=jnp.float32)
    edge_index = jax.random.randint(ks[1], (2, E), 0, N, dtype=jnp.int32)
    edge_feat = jax.random.normal(ks[2], (E, D), dtype=jnp.float32)
    # learned parameters (GINConv: eps + MLP Linear(D,2D)->BN(2D)->ReLU->Linear(2D,D))
    eps = jnp.zeros((1,), dtype=jnp.float32)
    W1 = jax.random.normal(ks[3], (D, 2 * D), dtype=jnp.float32) * (1.0 / np.sqrt(D))
    b1 = jnp.zeros((2 * D,), dtype=jnp.float32)
    gamma = jnp.ones((2 * D,), dtype=jnp.float32)
    beta = jnp.zeros((2 * D,), dtype=jnp.float32)
    W2 = jax.random.normal(ks[4], (2 * D, D), dtype=jnp.float32) * (1.0 / np.sqrt(2 * D))
    b2 = jnp.zeros((D,), dtype=jnp.float32)
    return {"node_feat": node_feat, "edge_index": edge_index, "edge_feat": edge_feat,
            "eps": eps, "W1": W1, "b1": b1, "gamma": gamma, "beta": beta, "W2": W2, "b2": b2}

def reference(node_feat, edge_index, edge_feat, eps, W1, b1, gamma, beta, W2, b2):
    src = edge_index[0]
    dst = edge_index[1]
    # message: u_add_e -> node_feat[src] + edge_feat; reduce: sum onto dst
    msg = jnp.take(node_feat, src, axis=0) + edge_feat
    neigh = jnp.zeros_like(node_feat).at[dst].add(msg)
    rst = (1.0 + eps) * node_feat + neigh
    # MLP: Linear -> BatchNorm1d (training-mode batch stats) -> ReLU -> Linear
    h = rst @ W1 + b1
    mean = jnp.mean(h, axis=0)
    var = jnp.mean((h - mean) ** 2, axis=0)  # biased variance, as torch BN uses for normalization
    h = (h - mean) / jnp.sqrt(var + 1e-5) * gamma + beta
    h = jax.nn.relu(h)
    out = h @ W2 + b2
    return out

if __name__ == "__main__":
    import jax
    _d = setup_inputs()
    print(jax.jit(kernel)(*tuple(_d.values())))

</pallas_src>

<mosaic_0001>
#map = affine_map<(d0, d1) -> (0, 0)>
#map1 = affine_map<(d0, d1) -> (0, 0, 0)>
module attributes {stable_mosaic.version = 14 : i64} {
  func.func @_sc_body(%arg0: i32, %arg1: i32, %arg2: memref<10000x128xf32, #tpu.memory_space<hbm>>, %arg3: memref<32x80x128xi32, #tpu.memory_space<hbm>>, %arg4: memref<32x80x128xi32, #tpu.memory_space<hbm>>, %arg5: memref<32x10000x128xf32, #tpu.memory_space<hbm>>, %arg6: memref<2x10000x128xf32, #tpu.memory_space<hbm>>, %arg7: memref<80x128xi32, #tpu.memory_space<vmem>>, %arg8: memref<8x128xi32, #tpu.memory_space<vmem>>, %arg9: memref<128x128xf32, #tpu.memory_space<vmem>>, %arg10: memref<128x128xf32, #tpu.memory_space<vmem>>, %arg11: memref<10008x128xf32, #tpu.memory_space<vmem_shared>>, %arg12: memref<!tpu.dma_semaphore, #tpu.memory_space<semaphore_mem>>, %arg13: memref<!tpu.dma_semaphore, #tpu.memory_space<semaphore_mem>>, %arg14: memref<!tpu.dma_semaphore, #tpu.memory_space<semaphore_mem>>) attributes {dimension_semantics = [#tpu.dimension_semantics<core_parallel>, #tpu.dimension_semantics<subcore_parallel>], iteration_bounds = array<i64: 2, 16>, scalar_prefetch = 0 : i64, scratch_operands = 8 : i64, tpu.core_type = #tpu.core_type<sc_vector_subcore>, window_params = [{transform_indices = #map}, {transform_indices = #map1}, {transform_indices = #map1}, {transform_indices = #map1}, {transform_indices = #map1}]} {
    %mul3A = arith.constant 2 : i32
    %mul3A_0 = arith.muli %arg1, %mul3A : i32
    %add3A = arith.addi %mul3A_0, %arg0 : i32
    "tpu.region"() ({
      %run_scoped3A = tpu.sem_alloc : memref<!tpu.dma_semaphore, #tpu.memory_space<semaphore_mem>>
      %dma_start3A_58 = arith.constant 0 : i32
      %dma_start3A_59 = arith.constant 0 : i32
      %dma_start3A_60 = tpu.memref_slice %arg4[%add3A, %dma_start3A_58, %dma_start3A_59] : memref<32x80x128xi32, #tpu.memory_space<hbm>> -> memref<1x80x128xi32, #tpu.memory_space<hbm>>
      %dma_start3A_61 = tpu.memref_squeeze %dma_start3A_60 : memref<1x80x128xi32, #tpu.memory_space<hbm>> -> memref<80x128xi32, #tpu.memory_space<hbm>>
      %dma_start3A_62 = arith.constant 0 : i32
      %dma_start3A_63 = arith.constant 0 : i32
      %dma_start3A_64 = tpu.memref_slice %arg4[%add3A, %dma_start3A_62, %dma_start3A_63] : memref<32x80x128xi32, #tpu.memory_space<hbm>> -> memref<1x80x128xi32, #tpu.memory_space<hbm>>
      %dma_start3A_65 = tpu.memref_squeeze %dma_start3A_64 : memref<1x80x128xi32, #tpu.memory_space<hbm>> -> memref<80x128xi32, #tpu.memory_space<hbm>>
      tpu.enqueue_dma source(%dma_start3A_65 : memref<80x128xi32, #tpu.memory_space<hbm>>) target(%arg7 : memref<80x128xi32, #tpu.memory_space<vmem>>) target_semaphore(%run_scoped3A : memref<!tpu.dma_semaphore, #tpu.memory_space<semaphore_mem>>)
      %dma_wait3A = arith.constant 0 : i32
      %dma_wait3A_66 = arith.constant 0 : i32
      %dma_wait3A_67 = tpu.memref_slice %arg4[%add3A, %dma_wait3A, %dma_wait3A_66] : memref<32x80x128xi32, #tpu.memory_space<hbm>> -> memref<1x80x128xi32, #tpu.memory_space<hbm>>
      %dma_wait3A_68 = tpu.memref_squeeze %dma_wait3A_67 : memref<1x80x128xi32, #tpu.memory_space<hbm>> -> memref<80x128xi32, #tpu.memory_space<hbm>>
      %dma_wait3A_69 = arith.constant 0 : i32
      %dma_wait3A_70 = arith.constant 0 : i32
      %dma_wait3A_71 = tpu.memref_slice %arg4[%add3A, %dma_wait3A_69, %dma_wait3A_70] : memref<32x80x128xi32, #tpu.memory_space<hbm>> -> memref<1x80x128xi32, #tpu.memory_space<hbm>>
      %dma_wait3A_72 = tpu.memref_squeeze %dma_wait3A_71 : memref<1x80x128xi32, #tpu.memory_space<hbm>> -> memref<80x128xi32, #tpu.memory_space<hbm>>
      tpu.wait_dma2 semaphore(%run_scoped3A : memref<!tpu.dma_semaphore, #tpu.memory_space<semaphore_mem>>) src(%dma_wait3A_72 : memref<80x128xi32, #tpu.memory_space<hbm>>) dst(%arg7 : memref<80x128xi32, #tpu.memory_space<vmem>>)
      tpu.yield
    }) : () -> ()
    %scan3A = arith.constant 0 : i32
    %scan3A_1 = arith.constant 0 : i32
    %scan3A_2 = arith.constant 80 : i32
    %scan3A_3 = arith.addi %scan3A_1, %scan3A_2 : i32
    %scan3A_4 = arith.constant 1 : i32
    %scan3A_5 = scf.for %scan3A_58 = %scan3A_1 to %scan3A_3 step %scan3A_4 iter_args(%scan3A_59 = %scan3A) -> (i32)  : i32 {
      %broadcast_in_dim3A = arith.constant 0.000000e+00 : f32
      %broadcast_in_dim3A_60 = vector.broadcast %broadcast_in_dim3A : f32 to vector<16xf32>
      %swap3A = arith.index_cast %scan3A_58 : i32 to index
      %swap3A_61 = arith.constant 0 : index
      %swap3A_62 = tpu.vector_load %arg9[%swap3A, %swap3A_61] {strides = array<i32>} : memref<128x128xf32, #tpu.memory_space<vmem>>, vector<1x16xf32>,
      %swap3A_63 = vector.shape_cast %swap3A_62 : vector<1x16xf32> to vector<16xf32>
      %swap3A_64 = vector.shape_cast %broadcast_in_dim3A_60 : vector<16xf32> to vector<1x16xf32>
      tpu.vector_store %arg9[%swap3A, %swap3A_61], %swap3A_64 {strides = array<i32>} : memref<128x128xf32, #tpu.memory_space<vmem>>, vector<1x16xf32>,
      %broadcast_in_dim3A_65 = arith.constant 0.000000e+00 : f32
      %broadcast_in_dim3A_66 = vector.broadcast %broadcast_in_dim3A_65 : f32 to vector<16xf32>
      %swap3A_67 = arith.index_cast %scan3A_58 : i32 to index
      %swap3A_68 = arith.constant 16 : index
      %swap3A_69 = tpu.vector_load %arg9[%swap3A_67, %swap3A_68] {strides = array<i32>} : memref<128x128xf32, #tpu.memory_space<vmem>>, vector<1x16xf32>,
      %swap3A_70 = vector.shape_cast %swap3A_69 : vector<1x16xf32> to vector<16xf32>
      %swap3A_71 = vector.shape_cast %broadcast_in_dim3A_66 : vector<16xf32> to vector<1x16xf32>
      tpu.vector_store %arg9[%swap3A_67, %swap3A_68], %swap3A_71 {strides = array<i32>} : memref<128x128xf32, #tpu.memory_space<vmem>>, vector<1x16xf32>,
      %broadcast_in_dim3A_72 = arith.constant 0.000000e+00 : f32
      %broadcast_in_dim3A_73 = vector.broadcast %broadcast_in_dim3A_72 : f32 to vector<16xf32>
      %swap3A_74 = arith.index_cast %scan3A_58 : i32 to index
      %swap3A_75 = arith.constant 32 : index
      %swap3A_76 = tpu.vector_load %arg9[%swap3A_74, %swap3A_75] {strides = array<i32>} : memref<128x128xf32, #tpu.memory_space<vmem>>, vector<1x16xf32>,
      %swap3A_77 = vector.shape_cast %swap3A_76 : vector<1x16xf32> to vector<16xf32>
      %swap3A_78 = vector.shape_cast %broadcast_in_dim3A_73 : vector<16xf32> to vector<1x16xf32>
      tpu.vector_store %arg9[%swap3A_74, %swap3A_75], %swap3A_78 {strides = array<i32>} : memref<128x128xf32, #tpu.memory_space<vmem>>, vector<1x16xf32>,
      %broadcast_in_dim3A_79 = arith.constant 0.000000e+00 : f32
      %broadcast_in_dim3A_80 = vector.broadcast %broadcast_in_dim3A_79 : f32 to vector<16xf32>
      %swap3A_81 = arith.index_cast %scan3A_58 : i32 to index
      %swap3A_82 = arith.constant 48 : index
      %swap3A_83 = tpu.vector_load %arg9[%swap3A_81, %swap3A_82] {strides = array<i32>} : memref<128x128xf32, #tpu.memory_space<vmem>>, vector<1x16xf32>,
      %swap3A_84 = vector.shape_cast %swap3A_83 : vector<1x16xf32> to vector<16xf32>
      %swap3A_85 = vector.shape_cast %broadcast_in_dim3A_80 : vector<16xf32> to vector<1x16xf32>
      tpu.vector_store %arg9[%swap3A_81, %swap3A_82], %swap3A_85 {strides = array<i32>} : memref<128x128xf32, #tpu.memory_space<vmem>>, vector<1x16xf32>,
      %broadcast_in_dim3A_86 = arith.constant 0.000000e+00 : f32
      %broadcast_in_dim3A_87 = vector.broadcast %broadcast_in_dim3A_86 : f32 to vector<16xf32>
      %swap3A_88 = arith.index_cast %scan3A_58 : i32 to index
      %swap3A_89 = arith.constant 64 : index
      %swap3A_90 = tpu.vector_load %arg9[%swap3A_88, %swap3A_89] {strides = array<i32>} : memref<128x128xf32, #tpu.memory_space<vmem>>, vector<1x16xf32>,
      %swap3A_91 = vector.shape_cast %swap3A_90 : vector<1x16xf32> to vector<16xf32>
      %swap3A_92 = vector.shape_cast %broadcast_in_dim3A_87 : vector<16xf32> to vector<1x16xf32>
      tpu.vector_store %arg9[%swap3A_88, %swap3A_89], %swap3A_92 {strides = array<i32>} : memref<128x128xf32, #tpu.memory_space<vmem>>, vector<1x16xf32>,
      %broadcast_in_dim3A_93 = arith.constant 0.000000e+00 : f32
      %broadcast_in_dim3A_94 = vector.broadcast %broadcast_in_dim3A_93 : f32 to vector<16xf32>
      %swap3A_95 = arith.index_cast %scan3A_58 : i32 to index
      %swap3A_96 = arith.constant 80 : index
      %swap3A_97 = tpu.vector_load %arg9[%swap3A_95, %swap3A_96] {strides = array<i32>} : memref<128x128xf32, #tpu.memory_space<vmem>>, vector<1x16xf32>,
      %swap3A_98 = vector.shape_cast %swap3A_97 : vector<1x16xf32> to vector<16xf32>
      %swap3A_99 = vector.shape_cast %broadcast_in_dim3A_94 : vector<16xf32> to vector<1x16xf32>
      tpu.vector_store %arg9[%swap3A_95, %swap3A_96], %swap3A_99 {strides = array<i32>} : memref<128x128xf32, #tpu.memory_space<vmem>>, vector<1x16xf32>,
      %broadcast_in_dim3A_100 = arith.constant 0.000000e+00 : f32
      %broadcast_in_dim3A_101 = vector.broadcast %broadcast_in_dim3A_100 : f32 to vector<16xf32>
      %swap3A_102 = arith.index_cast %scan3A_58 : i32 to index
      %swap3A_103 = arith.constant 96 : index
      %swap3A_104 = tpu.vector_load %arg9[%swap3A_102, %swap3A_103] {strides = array<i32>} : memref<128x128xf32, #tpu.memory_space<vmem>>, vector<1x16xf32>,
      %swap3A_105 = vector.shape_cast %swap3A_104 : vector<1x16xf32> to vector<16xf32>
      %swap3A_106 = vector.shape_cast %broadcast_in_dim3A_101 : vector<16xf32> to vector<1x16xf32>
      tpu.vector_store %arg9[%swap3A_102, %swap3A_103], %swap3A_106 {strides = array<i32>} : memref<128x128xf32, #tpu.memory_space<vmem>>, vector<1x16xf32>,
      %broadcast_in_dim3A_107 = arith.constant 0.000000e+00 : f32
      %broadcast_in_dim3A_108 = vector.broadcast %broadcast_in_dim3A_107 : f32 to vector<16xf32>
      %swap3A_109 = arith.index_cast %scan3A_58 : i32 to index
      %swap3A_110 = arith.constant 112 : index
      %swap3A_111 = tpu.vector_load %arg9[%swap3A_109, %swap3A_110] {strides = array<i32>} : memref<128x128xf32, #tpu.memory_space<vmem>>, vector<1x16xf32>,
      %swap3A_112 = vector.shape_cast %swap3A_111 : vector<1x16xf32> to vector<16xf32>
      %swap3A_113 = vector.shape_cast %broadcast_in_dim3A_108 : vector<16xf32> to vector<1x16xf32>
      tpu.vector_store %arg9[%swap3A_109, %swap3A_110], %swap3A_113 {strides = array<i32>} : memref<128x128xf32, #tpu.memory_space<vmem>>, vector<1x16xf32>,
      %scan3A_114 = arith.constant 0 : i32
      scf.yield %scan3A_114 : i32
    }
    %scan3A_6 = arith.constant 80 : i32
    %scan3A_7 = arith.constant 0 : i32
    %scan3A_8 = arith.constant 0 : i32
    %scan3A_9 = arith.constant 8 : i32
    %scan3A_10 = arith.addi %scan3A_8, %scan3A_9 : i32
    %scan3A_11 = arith.constant 1 : i32
    %scan3A_12 = scf.for %scan3A_58 = %scan3A_8 to %scan3A_10 step %scan3A_11 iter_args(%scan3A_59 = %scan3A_7) -> (i32)  : i32 {
      %mul3A_60 = arith.constant 16 : i32
      %mul3A_61 = arith.muli %scan3A_58, %mul3A_60 : i32
      %add3A_62 = arith.addi %arg1, %mul3A_61 : i32
      %lt3A = arith.constant 125 : i32
      %lt3A_63 = arith.cmpi slt, %add3A_62, %lt3A : i32
      %convert_element_type3A_64 = arith.extui %lt3A_63 : i1 to i32
      %cond3A_65 = arith.constant 0 : i32
      %cond3A_66 = arith.cmpi ne, %convert_element_type3A_64, %cond3A_65 : i32
      scf.if %cond3A_66 {
        %mul3A_68 = arith.constant 80 : i32
        %mul3A_69 = arith.muli %add3A_62, %mul3A_68 : i32
        "tpu.region"() ({
          %run_scoped3A = tpu.sem_alloc : memref<!tpu.dma_semaphore, #tpu.memory_space<semaphore_mem>>
          %dma_start3A_70 = arith.constant 0 : i32
          %dma_start3A_71 = arith.constant 0 : i32
          %dma_start3A_72 = tpu.memref_slice %arg9[%dma_start3A_70, %dma_start3A_71] : memref<128x128xf32, #tpu.memory_space<vmem>> -> memref<80x128xf32, #tpu.memory_space<vmem>>
          %dma_start3A_73 = arith.constant 0 : i32
          %dma_start3A_74 = tpu.memref_slice %arg11[%mul3A_69, %dma_start3A_73] : memref<10008x128xf32, #tpu.memory_space<vmem_shared>> -> memref<80x128xf32, #tpu.memory_space<vmem_shared>>
          %dma_start3A_75 = arith.constant 0 : i32
          %dma_start3A_76 = tpu.memref_slice %arg11[%mul3A_69, %dma_start3A_75] : memref<10008x128xf32, #tpu.memory_space<vmem_shared>> -> memref<80x128xf32, #tpu.memory_space<vmem_shared>>
          %dma_start3A_77 = arith.constant 0 : i32
          %dma_start3A_78 = arith.constant 0 : i32
          %dma_start3A_79 = tpu.memref_slice %arg9[%dma_start3A_77, %dma_start3A_78] : memref<128x128xf32, #tpu.memory_space<vmem>> -> memref<80x128xf32, #tpu.memory_space<vmem>>
          tpu.enqueue_dma source(%dma_start3A_79 : memref<80x128xf32, #tpu.memory_space<vmem>>) target(%dma_start3A_76 : memref<80x128xf32, #tpu.memory_space<vmem_shared>>) target_semaphore(%run_scoped3A : memref<!tpu.dma_semaphore, #tpu.memory_space<semaphore_mem>>)
          %dma_wait3A = arith.constant 0 : i32
          %dma_wait3A_80 = arith.constant 0 : i32
          %dma_wait3A_81 = tpu.memref_slice %arg9[%dma_wait3A, %dma_wait3A_80] : memref<128x128xf32, #tpu.memory_space<vmem>> -> memref<80x128xf32, #tpu.memory_space<vmem>>
          %dma_wait3A_82 = arith.constant 0 : i32
          %dma_wait3A_83 = tpu.memref_slice %arg11[%mul3A_69, %dma_wait3A_82] : memref<10008x128xf32, #tpu.memory_space<vmem_shared>> -> memref<80x128xf32, #tpu.memory_space<vmem_shared>>
          %dma_wait3A_84 = arith.constant 0 : i32
          %dma_wait3A_85 = tpu.memref_slice %arg11[%mul3A_69, %dma_wait3A_84] : memref<10008x128xf32, #tpu.memory_space<vmem_shared>> -> memref<80x128xf32, #tpu.memory_space<vmem_shared>>
          %dma_wait3A_86 = arith.constant 0 : i32
          %dma_wait3A_87 = arith.constant 0 : i32
          %dma_wait3A_88 = tpu.memref_slice %arg9[%dma_wait3A_86, %dma_wait3A_87] : memref<128x128xf32, #tpu.memory_space<vmem>> -> memref<80x128xf32, #tpu.memory_space<vmem>>
          tpu.wait_dma2 semaphore(%run_scoped3A : memref<!tpu.dma_semaphore, #tpu.memory_space<semaphore_mem>>) src(%dma_wait3A_88 : memref<80x128xf32, #tpu.memory_space<vmem>>) dst(%dma_wait3A_85 : memref<80x128xf32, #tpu.memory_space<vmem_shared>>)
          tpu.yield
        }) : () -> ()
      } else {
      }
      %scan3A_67 = arith.constant 0 : i32
      scf.yield %scan3A_67 : i32
    }
    %scan3A_13 = arith.constant 8 : i32
    %eq3A = arith.constant 0 : i32
    %eq3A_14 = arith.cmpi eq, %arg1, %eq3A : i32
    %convert_element_type3A = arith.extui %eq3A_14 : i1 to i32
    %cond3A = arith.constant 0 : i32
    %cond3A_15 = arith.cmpi ne, %convert_element_type3A, %cond3A : i32
    scf.if %cond3A_15 {
      "tpu.region"() ({
        %run_scoped3A = tpu.sem_alloc : memref<!tpu.dma_semaphore, #tpu.memory_space<semaphore_mem>>
        %dma_start3A_58 = arith.constant 0 : i32
        %dma_start3A_59 = arith.constant 0 : i32
        %dma_start3A_60 = tpu.memref_slice %arg9[%dma_start3A_58, %dma_start3A_59] : memref<128x128xf32, #tpu.memory_space<vmem>> -> memref<8x128xf32, #tpu.memory_space<vmem>>
        %dma_start3A_61 = arith.constant 10000 : i32
        %dma_start3A_62 = arith.constant 0 : i32
        %dma_start3A_63 = tpu.memref_slice %arg11[%dma_start3A_61, %dma_start3A_62] : memref<10008x128xf32, #tpu.memory_space<vmem_shared>> -> memref<8x128xf32, #tpu.memory_space<vmem_shared>>
        %dma_start3A_64 = arith.constant 10000 : i32
        %dma_start3A_65 = arith.constant 0 : i32
        %dma_start3A_66 = tpu.memref_slice %arg11[%dma_start3A_64, %dma_start3A_65] : memref<10008x128xf32, #tpu.memory_space<vmem_shared>> -> memref<8x128xf32, #tpu.memory_space<vmem_shared>>
        %dma_start3A_67 = arith.constant 0 : i32
        %dma_start3A_68 = arith.constant 0 : i32
        %dma_start3A_69 = tpu.memref_slice %arg9[%dma_start3A_67, %dma_start3A_68] : memref<128x128xf32, #tpu.memory_space<vmem>> -> memref<8x128xf32, #tpu.memory_space<vmem>>
        tpu.enqueue_dma source(%dma_start3A_69 : memref<8x128xf32, #tpu.memory_space<vmem>>) target(%dma_start3A_66 : memref<8x128xf32, #tpu.memory_space<vmem_shared>>) target_semaphore(%run_scoped3A : memref<!tpu.dma_semaphore, #tpu.memory_space<semaphore_mem>>)
        %dma_wait3A = arith.constant 0 : i32
        %dma_wait3A_70 = arith.constant 0 : i32
        %dma_wait3A_71 = tpu.memref_slice %arg9[%dma_wait3A, %dma_wait3A_70] : memref<128x128xf32, #tpu.memory_space<vmem>> -> memref<8x128xf32, #tpu.memory_space<vmem>>
        %dma_wait3A_72 = arith.constant 10000 : i32
        %dma_wait3A_73 = arith.constant 0 : i32
        %dma_wait3A_74 = tpu.memref_slice %arg11[%dma_wait3A_72, %dma_wait3A_73] : memref<10008x128xf32, #tpu.memory_space<vmem_shared>> -> memref<8x128xf32, #tpu.memory_space<vmem_shared>>
        %dma_wait3A_75 = arith.constant 10000 : i32
        %dma_wait3A_76 = arith.constant 0 : i32
        %dma_wait3A_77 = tpu.memref_slice %arg11[%dma_wait3A_75, %dma_wait3A_76] : memref<10008x128xf32, #tpu.memory_space<vmem_shared>> -> memref<8x128xf32, #tpu.memory_space<vmem_shared>>
        %dma_wait3A_78 = arith.constant 0 : i32
        %dma_wait3A_79 = arith.constant 0 : i32
        %dma_wait3A_80 = tpu.memref_slice %arg9[%dma_wait3A_78, %dma_wait3A_79] : memref<128x128xf32, #tpu.memory_space<vmem>> -> memref<8x128xf32, #tpu.memory_space<vmem>>
        tpu.wait_dma2 semaphore(%run_scoped3A : memref<!tpu.dma_semaphore, #tpu.memory_space<semaphore_mem>>) src(%dma_wait3A_80 : memref<8x128xf32, #tpu.memory_space<vmem>>) dst(%dma_wait3A_77 : memref<8x128xf32, #tpu.memory_space<vmem_shared>>)
        tpu.yield
      }) : () -> ()
    } else {
    }
    %barrier3A = arith.constant 0 : index
    tpu.barrier barrier_id(%barrier3A)
    "tpu.region"() ({
      %run_scoped3A = tpu.sem_alloc : memref<!tpu.dma_semaphore, #tpu.memory_space<semaphore_mem>>
      %dma_start3A_58 = arith.constant 0 : i32
      %dma_start3A_59 = arith.constant 0 : i32
      %dma_start3A_60 = tpu.memref_slice %arg3[%add3A, %dma_start3A_58, %dma_start3A_59] : memref<32x80x128xi32, #tpu.memory_space<hbm>> -> memref<1x8x128xi32, #tpu.memory_space<hbm>>
      %dma_start3A_61 = tpu.memref_squeeze %dma_start3A_60 : memref<1x8x128xi32, #tpu.memory_space<hbm>> -> memref<8x128xi32, #tpu.memory_space<hbm>>
      %dma_start3A_62 = arith.constant 0 : i32
      %dma_start3A_63 = arith.constant 0 : i32
      %dma_start3A_64 = tpu.memref_slice %arg3[%add3A, %dma_start3A_62, %dma_start3A_63] : memref<32x80x128xi32, #tpu.memory_space<hbm>> -> memref<1x8x128xi32, #tpu.memory_space<hbm>>
      %dma_start3A_65 = tpu.memref_squeeze %dma_start3A_64 : memref<1x8x128xi32, #tpu.memory_space<hbm>> -> memref<8x128xi32, #tpu.memory_space<hbm>>
      tpu.enqueue_dma source(%dma_start3A_65 : memref<8x128xi32, #tpu.memory_space<hbm>>) target(%arg8 : memref<8x128xi32, #tpu.memory_space<vmem>>) target_semaphore(%run_scoped3A : memref<!tpu.dma_semaphore, #tpu.memory_space<semaphore_mem>>)
      %dma_wait3A = arith.constant 0 : i32
      %dma_wait3A_66 = arith.constant 0 : i32
      %dma_wait3A_67 = tpu.memref_slice %arg3[%add3A, %dma_wait3A, %dma_wait3A_66] : memref<32x80x128xi32, #tpu.memory_space<hbm>> -> memref<1x8x128xi32, #tpu.memory_space<hbm>>
      %dma_wait3A_68 = tpu.memref_squeeze %dma_wait3A_67 : memref<1x8x128xi32, #tpu.memory_space<hbm>> -> memref<8x128xi32, #tpu.memory_space<hbm>>
      %dma_wait3A_69 = arith.constant 0 : i32
      %dma_wait3A_70 = arith.constant 0 : i32
      %dma_wait3A_71 = tpu.memref_slice %arg3[%add3A, %dma_wait3A_69, %dma_wait3A_70] : memref<32x80x128xi32, #tpu.memory_space<hbm>> -> memref<1x8x128xi32, #tpu.memory_space<hbm>>
      %dma_wait3A_72 = tpu.memref_squeeze %dma_wait3A_71 : memref<1x8x128xi32, #tpu.memory_space<hbm>> -> memref<8x128xi32, #tpu.memory_space<hbm>>
      tpu.wait_dma2 semaphore(%run_scoped3A : memref<!tpu.dma_semaphore, #tpu.memory_space<semaphore_mem>>) src(%dma_wait3A_72 : memref<8x128xi32, #tpu.memory_space<hbm>>) dst(%arg8 : memref<8x128xi32, #tpu.memory_space<vmem>>)
      tpu.yield
    }) : () -> ()
    %dma_start3A = arith.constant 0 : i32
    %dma_start3A_16 = arith.constant 0 : i32
    %dma_start3A_17 = arith.constant 0 : i32
    %dma_start3A_18 = tpu.memref_slice %arg9[%dma_start3A_16, %dma_start3A_17] : memref<128x128xf32, #tpu.memory_space<vmem>> -> memref<64x128xf32, #tpu.memory_space<vmem>>
    %dma_start3A_19 = arith.constant 0 : i32
    %dma_start3A_20 = tpu.memref_slice %arg8[%dma_start3A, %dma_start3A_19] : memref<8x128xi32, #tpu.memory_space<vmem>> -> memref<1x64xi32, #tpu.memory_space<vmem>>
    %dma_start3A_21 = tpu.memref_squeeze %dma_start3A_20 : memref<1x64xi32, #tpu.memory_space<vmem>> -> memref<64xi32, #tpu.memory_space<vmem>>
    %dma_start3A_22 = arith.constant 0 : i32
    %dma_start3A_23 = arith.constant 0 : i32
    %dma_start3A_24 = tpu.memref_slice %arg2[%dma_start3A_22, %dma_start3A_23] : memref<10000x128xf32, #tpu.memory_space<hbm>> -> memref<10000x128xf32, #tpu.memory_space<hbm>>
    tpu.enqueue_indirect_dma source(%dma_start3A_24 : memref<10000x128xf32, #tpu.memory_space<hbm>>) target(%dma_start3A_18 : memref<64x128xf32, #tpu.memory_space<vmem>>) offsets(%dma_start3A_21 : memref<64xi32, #tpu.memory_space<vmem>>) semaphore(%arg12 : memref<!tpu.dma_semaphore, #tpu.memory_space<semaphore_mem>>)
    %dma_start3A_25 = arith.constant 0 : i32
    %dma_start3A_26 = arith.constant 64 : i32
    %dma_start3A_27 = arith.constant 0 : i32
    %dma_start3A_28 = tpu.memref_slice %arg9[%dma_start3A_26, %dma_start3A_27] : memref<128x128xf32, #tpu.memory_space<vmem>> -> memref<64x128xf32, #tpu.memory_space<vmem>>
    %dma_start3A_29 = arith.constant 64 : i32
    %dma_start3A_30 = tpu.memref_slice %arg8[%dma_start3A_25, %dma_start3A_29] : memref<8x128xi32, #tpu.memory_space<vmem>> -> memref<1x64xi32, #tpu.memory_space<vmem>>
    %dma_start3A_31 = tpu.memref_squeeze %dma_start3A_30 : memref<1x64xi32, #tpu.memory_space<vmem>> -> memref<64xi32, #tpu.memory_space<vmem>>
    %dma_start3A_32 = arith.constant 0 : i32
    %dma_start3A_33 = arith.constant 0 : i32
    %dma_start3A_34 = tpu.memref_slice %arg2[%dma_start3A_32, %dma_start3A_33] : memref<10000x128xf32, #tpu.memory_space<hbm>> -> memref<10000x128xf32, #tpu.memory_space<hbm>>
    tpu.enqueue_indirect_dma source(%dma_start3A_34 : memref<10000x128xf32, #tpu.memory_space<hbm>>) target(%dma_start3A_28 : memref<64x128xf32, #tpu.memory_space<vmem>>) offsets(%dma_start3A_31 : memref<64xi32, #tpu.memory_space<vmem>>) semaphore(%arg14 : memref<!tpu.dma_semaphore, #tpu.memory_space<semaphore_mem>>)
    %dma_start3A_35 = arith.constant 0 : i32
    %dma_start3A_36 = arith.constant 0 : i32
    %dma_start3A_37 = tpu.memref_slice %arg5[%add3A, %dma_start3A_35, %dma_start3A_36] : memref<32x10000x128xf32, #tpu.memory_space<hbm>> -> memref<1x128x128xf32, #tpu.memory_space<hbm>>
    %dma_start3A_38 = tpu.memref_squeeze %dma_start3A_37 : memref<1x128x128xf32, #tpu.memory_space<hbm>> -> memref<128x128xf32, #tpu.memory_space<hbm>>
    %dma_start3A_39 = arith.constant 0 : i32
    %dma_start3A_40 = arith.constant 0 : i32
    %dma_start3A_41 = tpu.memref_slice %arg5[%add3A, %dma_start3A_39, %dma_start3A_40] : memref<32x10000x128xf32, #tpu.memory_space<hbm>> -> memref<1x128x128xf32, #tpu.memory_space<hbm>>
    %dma_start3A_42 = tpu.memref_squeeze %dma_start3A_41 : memref<1x128x128xf32, #tpu.memory_space<hbm>> -> memref<128x128xf32, #tpu.memory_space<hbm>>
    tpu.enqueue_dma source(%dma_start3A_42 : memref<128x128xf32, #tpu.memory_space<hbm>>) target(%arg10 : memref<128x128xf32, #tpu.memory_space<vmem>>) target_semaphore(%arg13 : memref<!tpu.dma_semaphore, #tpu.memory_space<semaphore_mem>>)
    %scan3A_43 = arith.constant 0 : i32
    %scan3A_44 = arith.constant 0 : i32
    %scan3A_45 = arith.constant 79 : i32
    %scan3A_46 = arith.addi %scan3A_44, %scan3A_45 : i32
    %scan3A_47 = arith.constant 1 : i32
    %scan3A_48 = scf.for %scan3A_58 = %scan3A_44 to %scan3A_46 step %scan3A_47 iter_args(%scan3A_59 = %scan3A_43) -> (i32)  : i32 {
      %dma_wait3A = arith.constant 0 : i32
      %dma_wait3A_60 = arith.constant 0 : i32
      %dma_wait3A_61 = arith.constant 0 : i32
      %dma_wait3A_62 = tpu.memref_slice %arg9[%dma_wait3A_60, %dma_wait3A_61] : memref<128x128xf32, #tpu.memory_space<vmem>> -> memref<64x128xf32, #tpu.memory_space<vmem>>
      %dma_wait3A_63 = arith.constant 0 : i32
      %dma_wait3A_64 = tpu.memref_slice %arg8[%dma_wait3A, %dma_wait3A_63] : memref<8x128xi32, #tpu.memory_space<vmem>> -> memref<1x64xi32, #tpu.memory_space<vmem>>
      %dma_wait3A_65 = tpu.memref_squeeze %dma_wait3A_64 : memref<1x64xi32, #tpu.memory_space<vmem>> -> memref<64xi32, #tpu.memory_space<vmem>>
      %dma_wait3A_66 = arith.constant 0 : i32
      %dma_wait3A_67 = arith.constant 0 : i32
      %dma_wait3A_68 = tpu.memref_slice %arg2[%dma_wait3A_66, %dma_wait3A_67] : memref<10000x128xf32, #tpu.memory_space<hbm>> -> memref<10000x128xf32, #tpu.memory_space<hbm>>
      tpu.wait_indirect_dma semaphore(%arg12 : memref<!tpu.dma_semaphore, #tpu.memory_space<semaphore_mem>>) src(%dma_wait3A_68 : memref<10000x128xf32, #tpu.memory_space<hbm>>) dst(%dma_wait3A_62 : memref<64x128xf32, #tpu.memory_space<vmem>>)
      %dma_wait3A_69 = arith.constant 0 : i32
      %dma_wait3A_70 = arith.constant 64 : i32
      %dma_wait3A_71 = arith.constant 0 : i32
      %dma_wait3A_72 = tpu.memref_slice %arg9[%dma_wait3A_70, %dma_wait3A_71] : memref<128x128xf32, #tpu.memory_space<vmem>> -> memref<64x128xf32, #tpu.memory_space<vmem>>
      %dma_wait3A_73 = arith.constant 0 : i32
      %dma_wait3A_74 = tpu.memref_slice %arg8[%dma_wait3A_69, %dma_wait3A_73] : memref<8x128xi32, #tpu.memory_space<vmem>> -> memref<1x64xi32, #tpu.memory_space<vmem>>
      %dma_wait3A_75 = tpu.memref_squeeze %dma_wait3A_74 : memref<1x64xi32, #tpu.memory_space<vmem>> -> memref<64xi32, #tpu.memory_space<vmem>>
      %dma_wait3A_76 = arith.constant 0 : i32
      %dma_wait3A_77 = arith.constant 0 : i32
      %dma_wait3A_78 = tpu.memref_slice %arg2[%dma_wait3A_76, %dma_wait3A_77] : memref<10000x128xf32, #tpu.memory_space<hbm>> -> memref<10000x128xf32, #tpu.memory_space<hbm>>
      tpu.wait_indirect_dma semaphore(%arg14 : memref<!tpu.dma_semaphore, #tpu.memory_space<semaphore_mem>>) src(%dma_wait3A_78 : memref<10000x128xf32, #tpu.memory_space<hbm>>) dst(%dma_wait3A_72 : memref<64x128xf32, #tpu.memory_space<vmem>>)
      "tpu.region"() ({
        %run_scoped3A = tpu.sem_alloc : memref<!tpu.dma_semaphore, #tpu.memory_space<semaphore_mem>>
        %dma_start3A_131 = arith.constant 0 : i32
        %dma_start3A_132 = tpu.memref_slice %arg7[%scan3A_58, %dma_start3A_131] : memref<80x128xi32, #tpu.memory_space<vmem>> -> memref<1x128xi32, #tpu.memory_space<vmem>>
        %dma_start3A_133 = tpu.memref_squeeze %dma_start3A_132 : memref<1x128xi32, #tpu.memory_space<vmem>> -> memref<128xi32, #tpu.memory_space<vmem>>
        %dma_start3A_134 = arith.constant 0 : i32
        %dma_start3A_135 = arith.constant 0 : i32
        %dma_start3A_136 = tpu.memref_slice %arg11[%dma_start3A_134, %dma_start3A_135] : memref<10008x128xf32, #tpu.memory_space<vmem_shared>> -> memref<10008x128xf32, #tpu.memory_space<vmem_shared>>
        tpu.enqueue_indirect_dma source(%arg9 : memref<128x128xf32, #tpu.memory_space<vmem>>) target(%dma_start3A_136 : memref<10008x128xf32, #tpu.memory_space<vmem_shared>>) offsets(%dma_start3A_133 : memref<128xi32, #tpu.memory_space<vmem>>) semaphore(%run_scoped3A : memref<!tpu.dma_semaphore, #tpu.memory_space<semaphore_mem>>) {add = true}
        %dma_wait3A_137 = arith.constant 0 : i32
        %dma_wait3A_138 = tpu.memref_slice %arg7[%scan3A_58, %dma_wait3A_137] : memref<80x128xi32, #tpu.memory_space<vmem>> -> memref<1x128xi32, #tpu.memory_space<vmem>>
        %dma_wait3A_139 = tpu.memref_squeeze %dma_wait3A_138 : memref<1x128xi32, #tpu.memory_space<vmem>> -> memref<128xi32, #tpu.memory_space<vmem>>
        %dma_wait3A_140 = arith.constant 0 : i32
        %dma_wait3A_141 = arith.constant 0 : i32
        %dma_wait3A_142 = tpu.memref_slice %arg11[%dma_wait3A_140, %dma_wait3A_141] : memref<10008x128xf32, #tpu.memory_space<vmem_shared>> -> memref<10008x128xf32, #tpu.memory_space<vmem_shared>>
        tpu.wait_indirect_dma semaphore(%run_scoped3A : memref<!tpu.dma_semaphore, #tpu.memory_space<semaphore_mem>>) src(%arg9 : memref<128x128xf32, #tpu.memory_space<vmem>>) dst(%dma_wait3A_142 : memref<10008x128xf32, #tpu.memory_space<vmem_shared>>)
        tpu.yield
      }) : () -> ()
      %add3A_79 = arith.constant 1 : i32
      %add3A_80 = arith.addi %scan3A_58, %add3A_79 : i32
      %jit3A = arith.constant 8 : i32
      %eq3A_81 = arith.constant 0 : i32
      %eq3A_82 = arith.cmpi eq, %jit3A, %eq3A_81 : i32
      %jit3A_83 = arith.constant 1 : i32
      %select_n3A = arith.select %eq3A_82, %jit3A_83, %jit3A : i32
      %rem3A = arith.remsi %add3A_80, %select_n3A : i32
      %ne3A = arith.constant 0 : i32
      %ne3A_84 = arith.cmpi ne, %rem3A, %ne3A : i32
      %lt3A = arith.constant 0 : i32
      %lt3A_85 = arith.cmpi slt, %rem3A, %lt3A : i32
      %lt3A_86 = arith.constant 0 : i32
      %lt3A_87 = arith.cmpi slt, %select_n3A, %lt3A_86 : i32
      %ne3A_88 = arith.xori %lt3A_85, %lt3A_87 : i1
      %and3A = arith.andi %ne3A_88, %ne3A_84 : i1
      %add3A_89 = arith.addi %rem3A, %select_n3A : i32
      %select_n3A_90 = arith.select %and3A, %add3A_89, %rem3A : i32
      %eq3A_91 = arith.constant 0 : i32
      %eq3A_92 = arith.cmpi eq, %select_n3A_90, %eq3A_91 : i32
      %add3A_93 = arith.constant 1 : i32
      %add3A_94 = arith.addi %scan3A_58, %add3A_93 : i32
      %lt3A_95 = arith.constant 79 : i32
      %lt3A_96 = arith.cmpi slt, %add3A_94, %lt3A_95 : i32
      %and3A_97 = arith.andi %eq3A_92, %lt3A_96 : i1
      %convert_element_type3A_98 = arith.extui %and3A_97 : i1 to i32
      %cond3A_99 = arith.constant 0 : i32
      %cond3A_100 = arith.cmpi ne, %convert_element_type3A_98, %cond3A_99 : i32
      scf.if %cond3A_100 {
        %add3A_131 = arith.constant 1 : i32
        %add3A_132 = arith.addi %scan3A_58, %add3A_131 : i32
        %jit3A_133 = arith.constant 8 : i32
        %div3A = arith.divsi %add3A_132, %jit3A_133 : i32
        %sign3A = arith.constant 0 : i32
        %sign3A_134 = arith.cmpi sgt, %add3A_132, %sign3A : i32
        %sign3A_135 = arith.extui %sign3A_134 : i1 to i32
        %sign3A_136 = arith.constant 0 : i32
        %sign3A_137 = arith.cmpi slt, %add3A_132, %sign3A_136 : i32
        %sign3A_138 = arith.extui %sign3A_137 : i1 to i32
        %sign3A_139 = arith.subi %sign3A_135, %sign3A_138 : i32
        %sign3A_140 = arith.constant 0 : i32
        %sign3A_141 = arith.cmpi sgt, %jit3A_133, %sign3A_140 : i32
        %sign3A_142 = arith.extui %sign3A_141 : i1 to i32
        %sign3A_143 = arith.constant 0 : i32
        %sign3A_144 = arith.cmpi slt, %jit3A_133, %sign3A_143 : i32
        %sign3A_145 = arith.extui %sign3A_144 : i1 to i32
        %sign3A_146 = arith.subi %sign3A_142, %sign3A_145 : i32
        %ne3A_147 = arith.cmpi ne, %sign3A_139, %sign3A_146 : i32
        %rem3A_148 = arith.remsi %add3A_132, %jit3A_133 : i32
        %ne3A_149 = arith.constant 0 : i32
        %ne3A_150 = arith.cmpi ne, %rem3A_148, %ne3A_149 : i32
        %and3A_151 = arith.andi %ne3A_147, %ne3A_150 : i1
        %sub3A = arith.constant 1 : i32
        %sub3A_152 = arith.subi %div3A, %sub3A : i32
        %select_n3A_153 = arith.select %and3A_151, %sub3A_152, %div3A : i32
        %mul3A_154 = arith.constant 8 : i32
        %mul3A_155 = arith.muli %select_n3A_153, %mul3A_154 : i32
        "tpu.region"() ({
          %run_scoped3A = tpu.sem_alloc : memref<!tpu.dma_semaphore, #tpu.memory_space<semaphore_mem>>
          %dma_start3A_156 = arith.constant 0 : i32
          %dma_start3A_157 = tpu.memref_slice %arg3[%add3A, %mul3A_155, %dma_start3A_156] : memref<32x80x128xi32, #tpu.memory_space<hbm>> -> memref<1x8x128xi32, #tpu.memory_space<hbm>>
          %dma_start3A_158 = tpu.memref_squeeze %dma_start3A_157 : memref<1x8x128xi32, #tpu.memory_space<hbm>> -> memref<8x128xi32, #tpu.memory_space<hbm>>
          %dma_start3A_159 = arith.constant 0 : i32
          %dma_start3A_160 = tpu.memref_slice %arg3[%add3A, %mul3A_155, %dma_start3A_159] : memref<32x80x128xi32, #tpu.memory_space<hbm>> -> memref<1x8x128xi32, #tpu.memory_space<hbm>>
          %dma_start3A_161 = tpu.memref_squeeze %dma_start3A_160 : memref<1x8x128xi32, #tpu.memory_space<hbm>> -> memref<8x128xi32, #tpu.memory_space<hbm>>
          tpu.enqueue_dma source(%dma_start3A_161 : memref<8x128xi32, #tpu.memory_space<hbm>>) target(%arg8 : memref<8x128xi32, #tpu.memory_space<vmem>>) target_semaphore(%run_scoped3A : memref<!tpu.dma_semaphore, #tpu.memory_space<semaphore_mem>>)
          %dma_wait3A_162 = arith.constant 0 : i32
          %dma_wait3A_163 = tpu.memref_slice %arg3[%add3A, %mul3A_155, %dma_wait3A_162] : memref<32x80x128xi32, #tpu.memory_space<hbm>> -> memref<1x8x128xi32, #tpu.memory_space<hbm>>
          %dma_wait3A_164 = tpu.memref_squeeze %dma_wait3A_163 : memref<1x8x128xi32, #tpu.memory_space<hbm>> -> memref<8x128xi32, #tpu.memory_space<hbm>>
          %dma_wait3A_165 = arith.constant 0 : i32
          %dma_wait3A_166 = tpu.memref_slice %arg3[%add3A, %mul3A_155, %dma_wait3A_165] : memref<32x80x128xi32, #tpu.memory_space<hbm>> -> memref<1x8x128xi32, #tpu.memory_space<hbm>>
          %dma_wait3A_167 = tpu.memref_squeeze %dma_wait3A_166 : memref<1x8x128xi32, #tpu.memory_space<hbm>> -> memref<8x128xi32, #tpu.memory_space<hbm>>
          tpu.wait_dma2 semaphore(%run_scoped3A : memref<!tpu.dma_semaphore, #tpu.memory_space<semaphore_mem>>) src(%dma_wait3A_167 : memref<8x128xi32, #tpu.memory_space<hbm>>) dst(%arg8 : memref<8x128xi32, #tpu.memory_space<vmem>>)
          tpu.yield
        }) : () -> ()
      } else {
      }
      %add3A_101 = arith.constant 1 : i32
      %add3A_102 = arith.addi %scan3A_58, %add3A_101 : i32
      %lt3A_103 = arith.constant 79 : i32
      %lt3A_104 = arith.cmpi slt, %add3A_102, %lt3A_103 : i32
      %convert_element_type3A_105 = arith.extui %lt3A_104 : i1 to i32
      %cond3A_106 = arith.constant 0 : i32
      %cond3A_107 = arith.cmpi ne, %convert_element_type3A_105, %cond3A_106 : i32
      scf.if %cond3A_107 {
        %add3A_131 = arith.constant 1 : i32
        %add3A_132 = arith.addi %scan3A_58, %add3A_131 : i32
        %jit3A_133 = arith.constant 8 : i32
        %eq3A_134 = arith.constant 0 : i32
        %eq3A_135 = arith.cmpi eq, %jit3A_133, %eq3A_134 : i32
        %jit3A_136 = arith.constant 1 : i32
        %select_n3A_137 = arith.select %eq3A_135, %jit3A_136, %jit3A_133 : i32
        %rem3A_138 = arith.remsi %add3A_132, %select_n3A_137 : i32
        %ne3A_139 = arith.constant 0 : i32
        %ne3A_140 = arith.cmpi ne, %rem3A_138, %ne3A_139 : i32
        %lt3A_141 = arith.constant 0 : i32
        %lt3A_142 = arith.cmpi slt, %rem3A_138, %lt3A_141 : i32
        %lt3A_143 = arith.constant 0 : i32
        %lt3A_144 = arith.cmpi slt, %select_n3A_137, %lt3A_143 : i32
        %ne3A_145 = arith.xori %lt3A_142, %lt3A_144 : i1
        %and3A_146 = arith.andi %ne3A_145, %ne3A_140 : i1
        %add3A_147 = arith.addi %rem3A_138, %select_n3A_137 : i32
        %select_n3A_148 = arith.select %and3A_146, %add3A_147, %rem3A_138 : i32
        %dma_start3A_149 = arith.constant 0 : i32
        %dma_start3A_150 = arith.constant 0 : i32
        %dma_start3A_151 = tpu.memref_slice %arg9[%dma_start3A_149, %dma_start3A_150] : memref<128x128xf32, #tpu.memory_space<vmem>> -> memref<64x128xf32, #tpu.memory_space<vmem>>
        %dma_start3A_152 = arith.constant 0 : i32
        %dma_start3A_153 = tpu.memref_slice %arg8[%select_n3A_148, %dma_start3A_152] : memref<8x128xi32, #tpu.memory_space<vmem>> -> memref<1x64xi32, #tpu.memory_space<vmem>>
        %dma_start3A_154 = tpu.memref_squeeze %dma_start3A_153 : memref<1x64xi32, #tpu.memory_space<vmem>> -> memref<64xi32, #tpu.memory_space<vmem>>
        %dma_start3A_155 = arith.constant 0 : i32
        %dma_start3A_156 = arith.constant 0 : i32
        %dma_start3A_157 = tpu.memref_slice %arg2[%dma_start3A_155, %dma_start3A_156] : memref<10000x128xf32, #tpu.memory_space<hbm>> -> memref<10000x128xf32, #tpu.memory_space<hbm>>
        tpu.enqueue_indirect_dma source(%dma_start3A_157 : memref<10000x128xf32, #tpu.memory_space<hbm>>) target(%dma_start3A_151 : memref<64x128xf32, #tpu.memory_space<vmem>>) offsets(%dma_start3A_154 : memref<64xi32, #tpu.memory_space<vmem>>) semaphore(%arg12 : memref<!tpu.dma_semaphore, #tpu.memory_space<semaphore_mem>>)
        %dma_start3A_158 = arith.constant 64 : i32
        %dma_start3A_159 = arith.constant 0 : i32
        %dma_start3A_160 = tpu.memref_slice %arg9[%dma_start3A_158, %dma_start3A_159] : memref<128x128xf32, #tpu.memory_space<vmem>> -> memref<64x128xf32, #tpu.memory_space<vmem>>
        %dma_start3A_161 = arith.constant 64 : i32
        %dma_start3A_162 = tpu.memref_slice %arg8[%select_n3A_148, %dma_start3A_161] : memref<8x128xi32, #tpu.memory_space<vmem>> -> memref<1x64xi32, #tpu.memory_space<vmem>>
        %dma_start3A_163 = tpu.memref_squeeze %dma_start3A_162 : memref<1x64xi32, #tpu.memory_space<vmem>> -> memref<64xi32, #tpu.memory_space<vmem>>
        %dma_start3A_164 = arith.constant 0 : i32
        %dma_start3A_165 = arith.constant 0 : i32
        %dma_start3A_166 = tpu.memref_slice %arg2[%dma_start3A_164, %dma_start3A_165] : memref<10000x128xf32, #tpu.memory_space<hbm>> -> memref<10000x128xf32, #tpu.memory_space<hbm>>
        tpu.enqueue_indirect_dma source(%dma_start3A_166 : memref<10000x128xf32, #tpu.memory_space<hbm>>) target(%dma_start3A_160 : memref<64x128xf32, #tpu.memory_space<vmem>>) offsets(%dma_start3A_163 : memref<64xi32, #tpu.memory_space<vmem>>) semaphore(%arg14 : memref<!tpu.dma_semaphore, #tpu.memory_space<semaphore_mem>>)
      } else {
      }
      %lt3A_108 = arith.constant 78 : i32
      %lt3A_109 = arith.cmpi slt, %scan3A_58, %lt3A_108 : i32
      %convert_element_type3A_110 = arith.extui %lt3A_109 : i1 to i32
      %cond3A_111 = arith.constant 0 : i32
      %cond3A_112 = arith.cmpi ne, %convert_element_type3A_110, %cond3A_111 : i32
      scf.if %cond3A_112 {
        %dma_wait3A_131 = arith.constant 0 : i32
        %dma_wait3A_132 = arith.constant 0 : i32
        %dma_wait3A_133 = tpu.memref_slice %arg5[%add3A, %dma_wait3A_131, %dma_wait3A_132] : memref<32x10000x128xf32, #tpu.memory_space<hbm>> -> memref<1x128x128xf32, #tpu.memory_space<hbm>>
        %dma_wait3A_134 = tpu.memref_squeeze %dma_wait3A_133 : memref<1x128x128xf32, #tpu.memory_space<hbm>> -> memref<128x128xf32, #tpu.memory_space<hbm>>
        %dma_wait3A_135 = arith.constant 0 : i32
        %dma_wait3A_136 = arith.constant 0 : i32
        %dma_wait3A_137 = tpu.memref_slice %arg5[%add3A, %dma_wait3A_135, %dma_wait3A_136] : memref<32x10000x128xf32, #tpu.memory_space<hbm>> -> memref<1x128x128xf32, #tpu.memory_space<hbm>>
        %dma_wait3A_138 = tpu.memref_squeeze %dma_wait3A_137 : memref<1x128x128xf32, #tpu.memory_space<hbm>> -> memref<128x128xf32, #tpu.memory_space<hbm>>
        tpu.wait_dma2 semaphore(%arg13 : memref<!tpu.dma_semaphore, #tpu.memory_space<semaphore_mem>>) src(%dma_wait3A_138 : memref<128x128xf32, #tpu.memory_space<hbm>>) dst(%arg10 : memref<128x128xf32, #tpu.memory_space<vmem>>)
      } else {
      }
      %eq3A_113 = arith.constant 78 : i32
      %eq3A_114 = arith.cmpi eq, %scan3A_58, %eq3A_113 : i32
      %convert_element_type3A_115 = arith.extui %eq3A_114 : i1 to i32
      %cond3A_116 = arith.constant 0 : i32
      %cond3A_117 = arith.cmpi ne, %convert_element_type3A_115, %cond3A_116 : i32
      scf.if %cond3A_117 {
        %dma_wait3A_131 = arith.constant 0 : i32
        %dma_wait3A_132 = arith.constant 0 : i32
        %dma_wait3A_133 = tpu.memref_slice %arg10[%dma_wait3A_131, %dma_wait3A_132] : memref<128x128xf32, #tpu.memory_space<vmem>> -> memref<16x128xf32, #tpu.memory_space<vmem>>
        %dma_wait3A_134 = arith.constant 0 : i32
        %dma_wait3A_135 = arith.constant 0 : i32
        %dma_wait3A_136 = tpu.memref_slice %arg5[%add3A, %dma_wait3A_134, %dma_wait3A_135] : memref<32x10000x128xf32, #tpu.memory_space<hbm>> -> memref<1x16x128xf32, #tpu.memory_space<hbm>>
        %dma_wait3A_137 = tpu.memref_squeeze %dma_wait3A_136 : memref<1x16x128xf32, #tpu.memory_space<hbm>> -> memref<16x128xf32, #tpu.memory_space<hbm>>
        %dma_wait3A_138 = arith.constant 0 : i32
        %dma_wait3A_139 = arith.constant 0 : i32
        %dma_wait3A_140 = tpu.memref_slice %arg10[%dma_wait3A_138, %dma_wait3A_139] : memref<128x128xf32, #tpu.memory_space<vmem>> -> memref<16x128xf32, #tpu.memory_space<vmem>>
        %dma_wait3A_141 = arith.constant 0 : i32
        %dma_wait3A_142 = arith.constant 0 : i32
        %dma_wait3A_143 = tpu.memref_slice %arg5[%add3A, %dma_wait3A_141, %dma_wait3A_142] : memref<32x10000x128xf32, #tpu.memory_space<hbm>> -> memref<1x16x128xf32, #tpu.memory_space<hbm>>
        %dma_wait3A_144 = tpu.memref_squeeze %dma_wait3A_143 : memref<1x16x128xf32, #tpu.memory_space<hbm>> -> memref<16x128xf32, #tpu.memory_space<hbm>>
        tpu.wait_dma2 semaphore(%arg13 : memref<!tpu.dma_semaphore, #tpu.memory_space<semaphore_mem>>) src(%dma_wait3A_144 : memref<16x128xf32, #tpu.memory_space<hbm>>) dst(%dma_wait3A_140 : memref<16x128xf32, #tpu.memory_space<vmem>>)
      } else {
      }
      "tpu.region"() ({
        %run_scoped3A = tpu.sem_alloc : memref<!tpu.dma_semaphore, #tpu.memory_space<semaphore_mem>>
        %dma_start3A_131 = arith.constant 0 : i32
        %dma_start3A_132 = tpu.memref_slice %arg7[%scan3A_58, %dma_start3A_131] : memref<80x128xi32, #tpu.memory_space<vmem>> -> memref<1x128xi32, #tpu.memory_space<vmem>>
        %dma_start3A_133 = tpu.memref_squeeze %dma_start3A_132 : memref<1x128xi32, #tpu.memory_space<vmem>> -> memref<128xi32, #tpu.memory_space<vmem>>
        %dma_start3A_134 = arith.constant 0 : i32
        %dma_start3A_135 = arith.constant 0 : i32
        %dma_start3A_136 = tpu.memref_slice %arg11[%dma_start3A_134, %dma_start3A_135] : memref<10008x128xf32, #tpu.memory_space<vmem_shared>> -> memref<10008x128xf32, #tpu.memory_space<vmem_shared>>
        tpu.enqueue_indirect_dma source(%arg10 : memref<128x128xf32, #tpu.memory_space<vmem>>) target(%dma_start3A_136 : memref<10008x128xf32, #tpu.memory_space<vmem_shared>>) offsets(%dma_start3A_133 : memref<128xi32, #tpu.memory_space<vmem>>) semaphore(%run_scoped3A : memref<!tpu.dma_semaphore, #tpu.memory_space<semaphore_mem>>) {add = true}
        %dma_wait3A_137 = arith.constant 0 : i32
        %dma_wait3A_138 = tpu.memref_slice %arg7[%scan3A_58, %dma_wait3A_137] : memref<80x128xi32, #tpu.memory_space<vmem>> -> memref<1x128xi32, #tpu.memory_space<vmem>>
        %dma_wait3A_139 = tpu.memref_squeeze %dma_wait3A_138 : memref<1x128xi32, #tpu.memory_space<vmem>> -> memref<128xi32, #tpu.memory_space<vmem>>
        %dma_wait3A_140 = arith.constant 0 : i32
        %dma_wait3A_141 = arith.constant 0 : i32
        %dma_wait3A_142 = tpu.memref_slice %arg11[%dma_wait3A_140, %dma_wait3A_141] : memref<10008x128xf32, #tpu.memory_space<vmem_shared>> -> memref<10008x128xf32, #tpu.memory_space<vmem_shared>>
        tpu.wait_indirect_dma semaphore(%run_scoped3A : memref<!tpu.dma_semaphore, #tpu.memory_space<semaphore_mem>>) src(%arg10 : memref<128x128xf32, #tpu.memory_space<vmem>>) dst(%dma_wait3A_142 : memref<10008x128xf32, #tpu.memory_space<vmem_shared>>)
        tpu.yield
      }) : () -> ()
      %add3A_118 = arith.constant 1 : i32
      %add3A_119 = arith.addi %scan3A_58, %add3A_118 : i32
      %lt3A_120 = arith.constant 78 : i32
      %lt3A_121 = arith.cmpi slt, %add3A_119, %lt3A_120 : i32
      %convert_element_type3A_122 = arith.extui %lt3A_121 : i1 to i32
      %cond3A_123 = arith.constant 0 : i32
      %cond3A_124 = arith.cmpi ne, %convert_element_type3A_122, %cond3A_123 : i32
      scf.if %cond3A_124 {
        %mul3A_131 = arith.constant 128 : i32
        %mul3A_132 = arith.muli %add3A_119, %mul3A_131 : i32
        %dma_start3A_133 = arith.constant 0 : i32
        %dma_start3A_134 = tpu.memref_slice %arg5[%add3A, %mul3A_132, %dma_start3A_133] : memref<32x10000x128xf32, #tpu.memory_space<hbm>> -> memref<1x128x128xf32, #tpu.memory_space<hbm>>
        %dma_start3A_135 = tpu.memref_squeeze %dma_start3A_134 : memref<1x128x128xf32, #tpu.memory_space<hbm>> -> memref<128x128xf32, #tpu.memory_space<hbm>>
        %dma_start3A_136 = arith.constant 0 : i32
        %dma_start3A_137 = tpu.memref_slice %arg5[%add3A, %mul3A_132, %dma_start3A_136] : memref<32x10000x128xf32, #tpu.memory_space<hbm>> -> memref<1x128x128xf32, #tpu.memory_space<hbm>>
        %dma_start3A_138 = tpu.memref_squeeze %dma_start3A_137 : memref<1x128x128xf32, #tpu.memory_space<hbm>> -> memref<128x128xf32, #tpu.memory_space<hbm>>
        tpu.enqueue_dma source(%dma_start3A_138 : memref<128x128xf32, #tpu.memory_space<hbm>>) target(%arg10 : memref<128x128xf32, #tpu.memory_space<vmem>>) target_semaphore(%arg13 : memref<!tpu.dma_semaphore, #tpu.memory_space<semaphore_mem>>)
      } else {
      }
      %eq3A_125 = arith.constant 78 : i32
      %eq3A_126 = arith.cmpi eq, %add3A_119, %eq3A_125 : i32
      %convert_element_type3A_127 = arith.extui %eq3A_126 : i1 to i32
      %cond3A_128 = arith.constant 0 : i32
      %cond3A_129 = arith.cmpi ne, %convert_element_type3A_127, %cond3A_128 : i32
      scf.if %cond3A_129 {
        %mul3A_131 = arith.constant 128 : i32
        %mul3A_132 = arith.muli %add3A_119, %mul3A_131 : i32
        %dma_start3A_133 = arith.constant 0 : i32
        %dma_start3A_134 = arith.constant 0 : i32
        %dma_start3A_135 = tpu.memref_slice %arg10[%dma_start3A_133, %dma_start3A_134] : memref<128x128xf32, #tpu.memory_space<vmem>> -> memref<16x128xf32, #tpu.memory_space<vmem>>
        %dma_start3A_136 = arith.constant 0 : i32
        %dma_start3A_137 = tpu.memref_slice %arg5[%add3A, %mul3A_132, %dma_start3A_136] : memref<32x10000x128xf32, #tpu.memory_space<hbm>> -> memref<1x16x128xf32, #tpu.memory_space<hbm>>
        %dma_start3A_138 = tpu.memref_squeeze %dma_start3A_137 : memref<1x16x128xf32, #tpu.memory_space<hbm>> -> memref<16x128xf32, #tpu.memory_space<hbm>>
        %dma_start3A_139 = arith.constant 0 : i32
        %dma_start3A_140 = arith.constant 0 : i32
        %dma_start3A_141 = tpu.memref_slice %arg10[%dma_start3A_139, %dma_start3A_140] : memref<128x128xf32, #tpu.memory_space<vmem>> -> memref<16x128xf32, #tpu.memory_space<vmem>>
        %dma_start3A_142 = arith.constant 0 : i32
        %dma_start3A_143 = tpu.memref_slice %arg5[%add3A, %mul3A_132, %dma_start3A_142] : memref<32x10000x128xf32, #tpu.memory_space<hbm>> -> memref<1x16x128xf32, #tpu.memory_space<hbm>>
        %dma_start3A_144 = tpu.memref_squeeze %dma_start3A_143 : memref<1x16x128xf32, #tpu.memory_space<hbm>> -> memref<16x128xf32, #tpu.memory_space<hbm>>
        tpu.enqueue_dma source(%dma_start3A_144 : memref<16x128xf32, #tpu.memory_space<hbm>>) target(%dma_start3A_141 : memref<16x128xf32, #tpu.memory_space<vmem>>) target_semaphore(%arg13 : memref<!tpu.dma_semaphore, #tpu.memory_space<semaphore_mem>>)
      } else {
      }
      %scan3A_130 = arith.constant 0 : i32
      scf.yield %scan3A_130 : i32
    }
    %scan3A_49 = arith.constant 79 : i32
    %barrier3A_50 = arith.constant 0 : index
    tpu.barrier barrier_id(%barrier3A_50)
    %scan3A_51 = arith.constant 0 : i32
    %scan3A_52 = arith.constant 0 : i32
    %scan3A_53 = arith.constant 8 : i32
    %scan3A_54 = arith.addi %scan3A_52, %scan3A_53 : i32
    %scan3A_55 = arith.constant 1 : i32
    %scan3A_56 = scf.for %scan3A_58 = %scan3A_52 to %scan3A_54 step %scan3A_55 iter_args(%scan3A_59 = %scan3A_51) -> (i32)  : i32 {
      %mul3A_60 = arith.constant 16 : i32
      %mul3A_61 = arith.muli %scan3A_58, %mul3A_60 : i32
      %add3A_62 = arith.addi %arg1, %mul3A_61 : i32
      %lt3A = arith.constant 125 : i32
      %lt3A_63 = arith.cmpi slt, %add3A_62, %lt3A : i32
      %convert_element_type3A_64 = arith.extui %lt3A_63 : i1 to i32
      %cond3A_65 = arith.constant 0 : i32
      %cond3A_66 = arith.cmpi ne, %convert_element_type3A_64, %cond3A_65 : i32
      scf.if %cond3A_66 {
        %mul3A_68 = arith.constant 80 : i32
        %mul3A_69 = arith.muli %add3A_62, %mul3A_68 : i32
        "tpu.region"() ({
          %run_scoped3A = tpu.sem_alloc : memref<!tpu.dma_semaphore, #tpu.memory_space<semaphore_mem>>
          %dma_start3A_72 = arith.constant 0 : i32
          %dma_start3A_73 = arith.constant 0 : i32
          %dma_start3A_74 = tpu.memref_slice %arg9[%dma_start3A_72, %dma_start3A_73] : memref<128x128xf32, #tpu.memory_space<vmem>> -> memref<80x128xf32, #tpu.memory_space<vmem>>
          %dma_start3A_75 = arith.constant 0 : i32
          %dma_start3A_76 = tpu.memref_slice %arg11[%mul3A_69, %dma_start3A_75] : memref<10008x128xf32, #tpu.memory_space<vmem_shared>> -> memref<80x128xf32, #tpu.memory_space<vmem_shared>>
          %dma_start3A_77 = arith.constant 0 : i32
          %dma_start3A_78 = arith.constant 0 : i32
          %dma_start3A_79 = tpu.memref_slice %arg9[%dma_start3A_77, %dma_start3A_78] : memref<128x128xf32, #tpu.memory_space<vmem>> -> memref<80x128xf32, #tpu.memory_space<vmem>>
          %dma_start3A_80 = arith.constant 0 : i32
          %dma_start3A_81 = tpu.memref_slice %arg11[%mul3A_69, %dma_start3A_80] : memref<10008x128xf32, #tpu.memory_space<vmem_shared>> -> memref<80x128xf32, #tpu.memory_space<vmem_shared>>
          tpu.enqueue_dma source(%dma_start3A_81 : memref<80x128xf32, #tpu.memory_space<vmem_shared>>) target(%dma_start3A_79 : memref<80x128xf32, #tpu.memory_space<vmem>>) target_semaphore(%run_scoped3A : memref<!tpu.dma_semaphore, #tpu.memory_space<semaphore_mem>>)
          %dma_wait3A = arith.constant 0 : i32
          %dma_wait3A_82 = arith.constant 0 : i32
          %dma_wait3A_83 = tpu.memref_slice %arg9[%dma_wait3A, %dma_wait3A_82] : memref<128x128xf32, #tpu.memory_space<vmem>> -> memref<80x128xf32, #tpu.memory_space<vmem>>
          %dma_wait3A_84 = arith.constant 0 : i32
          %dma_wait3A_85 = tpu.memref_slice %arg11[%mul3A_69, %dma_wait3A_84] : memref<10008x128xf32, #tpu.memory_space<vmem_shared>> -> memref<80x128xf32, #tpu.memory_space<vmem_shared>>
          %dma_wait3A_86 = arith.constant 0 : i32
          %dma_wait3A_87 = arith.constant 0 : i32
          %dma_wait3A_88 = tpu.memref_slice %arg9[%dma_wait3A_86, %dma_wait3A_87] : memref<128x128xf32, #tpu.memory_space<vmem>> -> memref<80x128xf32, #tpu.memory_space<vmem>>
          %dma_wait3A_89 = arith.constant 0 : i32
          %dma_wait3A_90 = tpu.memref_slice %arg11[%mul3A_69, %dma_wait3A_89] : memref<10008x128xf32, #tpu.memory_space<vmem_shared>> -> memref<80x128xf32, #tpu.memory_space<vmem_shared>>
          tpu.wait_dma2 semaphore(%run_scoped3A : memref<!tpu.dma_semaphore, #tpu.memory_space<semaphore_mem>>) src(%dma_wait3A_90 : memref<80x128xf32, #tpu.memory_space<vmem_shared>>) dst(%dma_wait3A_88 : memref<80x128xf32, #tpu.memory_space<vmem>>)
          tpu.yield
        }) : () -> ()
        %mul3A_70 = arith.constant 80 : i32
        %mul3A_71 = arith.muli %add3A_62, %mul3A_70 : i32
        "tpu.region"() ({
          %run_scoped3A = tpu.sem_alloc : memref<!tpu.dma_semaphore, #tpu.memory_space<semaphore_mem>>
          %dma_start3A_72 = arith.constant 0 : i32
          %dma_start3A_73 = arith.constant 0 : i32
          %dma_start3A_74 = tpu.memref_slice %arg9[%dma_start3A_72, %dma_start3A_73] : memref<128x128xf32, #tpu.memory_space<vmem>> -> memref<80x128xf32, #tpu.memory_space<vmem>>
          %dma_start3A_75 = arith.constant 0 : i32
          %dma_start3A_76 = tpu.memref_slice %arg6[%arg0, %mul3A_71, %dma_start3A_75] : memref<2x10000x128xf32, #tpu.memory_space<hbm>> -> memref<1x80x128xf32, #tpu.memory_space<hbm>>
          %dma_start3A_77 = tpu.memref_squeeze %dma_start3A_76 : memref<1x80x128xf32, #tpu.memory_space<hbm>> -> memref<80x128xf32, #tpu.memory_space<hbm>>
          %dma_start3A_78 = arith.constant 0 : i32
          %dma_start3A_79 = tpu.memref_slice %arg6[%arg0, %mul3A_71, %dma_start3A_78] : memref<2x10000x128xf32, #tpu.memory_space<hbm>> -> memref<1x80x128xf32, #tpu.memory_space<hbm>>
          %dma_start3A_80 = tpu.memref_squeeze %dma_start3A_79 : memref<1x80x128xf32, #tpu.memory_space<hbm>> -> memref<80x128xf32, #tpu.memory_space<hbm>>
          %dma_start3A_81 = arith.constant 0 : i32
          %dma_start3A_82 = arith.constant 0 : i32
          %dma_start3A_83 = tpu.memref_slice %arg9[%dma_start3A_81, %dma_start3A_82] : memref<128x128xf32, #tpu.memory_space<vmem>> -> memref<80x128xf32, #tpu.memory_space<vmem>>
          tpu.enqueue_dma source(%dma_start3A_83 : memref<80x128xf32, #tpu.memory_space<vmem>>) target(%dma_start3A_80 : memref<80x128xf32, #tpu.memory_space<hbm>>) target_semaphore(%run_scoped3A : memref<!tpu.dma_semaphore, #tpu.memory_space<semaphore_mem>>)
          %dma_wait3A = arith.constant 0 : i32
          %dma_wait3A_84 = arith.constant 0 : i32
          %dma_wait3A_85 = tpu.memref_slice %arg9[%dma_wait3A, %dma_wait3A_84] : memref<128x128xf32, #tpu.memory_space<vmem>> -> memref<80x128xf32, #tpu.memory_space<vmem>>
          %dma_wait3A_86 = arith.constant 0 : i32
          %dma_wait3A_87 = tpu.memref_slice %arg6[%arg0, %mul3A_71, %dma_wait3A_86] : memref<2x10000x128xf32, #tpu.memory_space<hbm>> -> memref<1x80x128xf32, #tpu.memory_space<hbm>>
          %dma_wait3A_88 = tpu.memref_squeeze %dma_wait3A_87 : memref<1x80x128xf32, #tpu.memory_space<hbm>> -> memref<80x128xf32, #tpu.memory_space<hbm>>
          %dma_wait3A_89 = arith.constant 0 : i32
          %dma_wait3A_90 = tpu.memref_slice %arg6[%arg0, %mul3A_71, %dma_wait3A_89] : memref<2x10000x128xf32, #tpu.memory_space<hbm>> -> memref<1x80x128xf32, #tpu.memory_space<hbm>>
          %dma_wait3A_91 = tpu.memref_squeeze %dma_wait3A_90 : memref<1x80x128xf32, #tpu.memory_space<hbm>> -> memref<80x128xf32, #tpu.memory_space<hbm>>
          %dma_wait3A_92 = arith.constant 0 : i32
          %dma_wait3A_93 = arith.constant 0 : i32
          %dma_wait3A_94 = tpu.memref_slice %arg9[%dma_wait3A_92, %dma_wait3A_93] : memref<128x128xf32, #tpu.memory_space<vmem>> -> memref<80x128xf32, #tpu.memory_space<vmem>>
          tpu.wait_dma2 semaphore(%run_scoped3A : memref<!tpu.dma_semaphore, #tpu.memory_space<semaphore_mem>>) src(%dma_wait3A_94 : memref<80x128xf32, #tpu.memory_space<vmem>>) dst(%dma_wait3A_91 : memref<80x128xf32, #tpu.memory_space<hbm>>)
          tpu.yield
        }) : () -> ()
      } else {
      }
      %scan3A_67 = arith.constant 0 : i32
      scf.yield %scan3A_67 : i32
    }
    %scan3A_57 = arith.constant 8 : i32
    return
  }
}

module attributes {stable_mosaic.version = 14 : i64} {
  func.func @_mlp_pass1_body(%arg0: i32, %arg1: memref<1xf32, #tpu.memory_space<smem>>, %arg2: memref<1000x128xf32, #tpu.memory_space<vmem>>, %arg3: memref<1000x128xf32, #tpu.memory_space<vmem>>, %arg4: memref<1000x128xf32, #tpu.memory_space<vmem>>, %arg5: memref<128x256xf32, #tpu.memory_space<vmem>>, %arg6: memref<1x256xf32, #tpu.memory_space<vmem>>, %arg7: memref<2x256xf32, #tpu.memory_space<vmem>>) attributes {dimension_semantics = [#tpu.dimension_semantics<arbitrary>], iteration_bounds = array<i64: 10>, scalar_prefetch = 0 : i64, scratch_operands = 0 : i64, tpu.core_type = #tpu.core_type<tc>, window_params = [{transform_indices = @transform_0, window_bounds = array<i64: 1>}, {transform_indices = @transform_1, window_bounds = array<i64: 1000, 128>}, {transform_indices = @transform_2, window_bounds = array<i64: 1000, 128>}, {transform_indices = @transform_3, window_bounds = array<i64: 1000, 128>}, {pipeline_mode = #tpu.pipeline_mode<synchronous>, transform_indices = @transform_4, window_bounds = array<i64: 128, 256>}, {pipeline_mode = #tpu.pipeline_mode<synchronous>, transform_indices = @transform_5, window_bounds = array<i64: 1, 256>}, {pipeline_mode = #tpu.pipeline_mode<synchronous>, transform_indices = @transform_6, window_bounds = array<i64: 2, 256>}]} {
    %get3A = arith.constant 0 : index
    %get3A_0 = memref.load %arg1[%get3A] : memref<1xf32, #tpu.memory_space<smem>>
    %add3A = arith.constant 1.000000e+00 : f32
    %add3A_1 = arith.addf %add3A, %get3A_0 : f32
    %get3A_2 = arith.constant 0 : index
    %get3A_3 = arith.constant 0 : index
    %get3A_4 = vector.load %arg2[%get3A_2, %get3A_3] : memref<1000x128xf32, #tpu.memory_space<vmem>>, vector<1000x128xf32>
    %mul3A = vector.broadcast %add3A_1 : f32 to vector<1000x128xf32>
    %mul3A_5 = arith.mulf %mul3A, %get3A_4 : vector<1000x128xf32>
    %get3A_6 = arith.constant 0 : index
    %get3A_7 = arith.constant 0 : index
    %get3A_8 = vector.load %arg3[%get3A_6, %get3A_7] : memref<1000x128xf32, #tpu.memory_space<vmem>>, vector<1000x128xf32>
    %add3A_9 = arith.addf %mul3A_5, %get3A_8 : vector<1000x128xf32>
    %get3A_10 = arith.constant 0 : index
    %get3A_11 = arith.constant 0 : index
    %get3A_12 = vector.load %arg4[%get3A_10, %get3A_11] : memref<1000x128xf32, #tpu.memory_space<vmem>>, vector<1000x128xf32>
    %add3A_13 = arith.addf %add3A_9, %get3A_12 : vector<1000x128xf32>
    %get3A_14 = arith.constant 0 : index
    %get3A_15 = arith.constant 0 : index
    %get3A_16 = vector.load %arg5[%get3A_14, %get3A_15] : memref<128x256xf32, #tpu.memory_space<vmem>>, vector<128x256xf32>
    %dot_general3A = arith.constant dense<0.000000e+00> : vector<1000x256xf32>
    %dot_general3A_17 = tpu.matmul %add3A_13, %get3A_16, %dot_general3A {dimension_numbers = #tpu.dot_dimension_numbers<[1], [0], [0], [1], [0, 0, 1, 1], [], []>, transpose_lhs_hint = false} : vector<1000x128xf32>, vector<128x256xf32>, vector<1000x256xf32> -> vector<1000x256xf32>
    %get3A_18 = arith.constant 0 : index
    %get3A_19 = arith.constant 0 : index
    %get3A_20 = vector.load %arg6[%get3A_18, %get3A_19] : memref<1x256xf32, #tpu.memory_space<vmem>>, vector<1x256xf32>
    %add3A_21 = vector.broadcast %get3A_20 : vector<1x256xf32> to vector<1000x256xf32>
    %add3A_22 = arith.addf %dot_general3A_17, %add3A_21 : vector<1000x256xf32>
    %eq3A = arith.constant 0 : i32
    %eq3A_23 = arith.cmpi eq, %arg0, %eq3A : i32
    %convert_element_type3A = arith.extui %eq3A_23 : i1 to i32
    %cond3A = arith.constant 0 : i32
    %cond3A_24 = arith.cmpi ne, %convert_element_type3A, %cond3A : i32
    scf.if %cond3A_24 {
      %broadcast_in_dim3A = arith.constant 0.000000e+00 : f32
      %broadcast_in_dim3A_48 = vector.broadcast %broadcast_in_dim3A : f32 to vector<2x256xf32>
      %swap3A_49 = arith.constant 0 : index
      %swap3A_50 = arith.constant 0 : index
      %swap3A_51 = vector.load %arg7[%swap3A_49, %swap3A_50] : memref<2x256xf32, #tpu.memory_space<vmem>>, vector<2x256xf32>
      tpu.vector_store %arg7[%swap3A_49, %swap3A_50], %broadcast_in_dim3A_48 {strides = array<i32>} : memref<2x256xf32, #tpu.memory_space<vmem>>, vector<2x256xf32>,
    } else {
    }
    %get3A_25 = arith.constant 0 : index
    %get3A_26 = arith.constant 0 : index
    %get3A_27 = vector.load %arg7[%get3A_25, %get3A_26] : memref<2x256xf32, #tpu.memory_space<vmem>>, vector<1x256xf32>
    %get3A_28 = vector.shape_cast %get3A_27 : vector<1x256xf32> to vector<256xf32>
    %reduce_sum3A = arith.constant dense<0.000000e+00> : vector<256xf32>
    %reduce_sum3A_29 = vector.multi_reduction <add>, %add3A_22, %reduce_sum3A [0] : vector<1000x256xf32> to vector<256xf32>
    %add3A_30 = arith.addf %get3A_28, %reduce_sum3A_29 : vector<256xf32>
    %swap3A = arith.constant 0 : index
    %swap3A_31 = arith.constant 0 : index
    %swap3A_32 = vector.load %arg7[%swap3A, %swap3A_31] : memref<2x256xf32, #tpu.memory_space<vmem>>, vector<1x256xf32>
    %swap3A_33 = vector.shape_cast %swap3A_32 : vector<1x256xf32> to vector<256xf32>
    %swap3A_34 = vector.shape_cast %add3A_30 : vector<256xf32> to vector<1x256xf32>
    tpu.vector_store %arg7[%swap3A, %swap3A_31], %swap3A_34 {strides = array<i32>} : memref<2x256xf32, #tpu.memory_space<vmem>>, vector<1x256xf32>,
    %get3A_35 = arith.constant 1 : index
    %get3A_36 = arith.constant 0 : index
    %get3A_37 = vector.load %arg7[%get3A_35, %get3A_36] : memref<2x256xf32, #tpu.memory_space<vmem>>, vector<1x256xf32>
    %get3A_38 = vector.shape_cast %get3A_37 : vector<1x256xf32> to vector<256xf32>
    %mul3A_39 = arith.mulf %add3A_22, %add3A_22 : vector<1000x256xf32>
    %reduce_sum3A_40 = arith.constant dense<0.000000e+00> : vector<256xf32>
    %reduce_sum3A_41 = vector.multi_reduction <add>, %mul3A_39, %reduce_sum3A_40 [0] : vector<1000x256xf32> to vector<256xf32>
    %add3A_42 = arith.addf %get3A_38, %reduce_sum3A_41 : vector<256xf32>
    %swap3A_43 = arith.constant 1 : index
    %swap3A_44 = arith.constant 0 : index
    %swap3A_45 = vector.load %arg7[%swap3A_43, %swap3A_44] : memref<2x256xf32, #tpu.memory_space<vmem>>, vector<1x256xf32>
    %swap3A_46 = vector.shape_cast %swap3A_45 : vector<1x256xf32> to vector<256xf32>
    %swap3A_47 = vector.shape_cast %add3A_42 : vector<256xf32> to vector<1x256xf32>
    tpu.vector_store %arg7[%swap3A_43, %swap3A_44], %swap3A_47 {strides = array<i32>} : memref<2x256xf32, #tpu.memory_space<vmem>>, vector<1x256xf32>,
    return
  }
  func.func @transform_0(%arg0: i32) -> i32 {
    %c0_i32 = arith.constant 0 : i32
    %c0_i32_0 = arith.constant 0 : i32
    return %c0_i32 : i32
  }
  func.func @transform_1(%arg0: i32) -> (i32, i32) {
    %c0_i32 = arith.constant 0 : i32
    %c0_i32_0 = arith.constant 0 : i32
    return %arg0, %c0_i32 : i32, i32
  }
  func.func @transform_2(%arg0: i32) -> (i32, i32) {
    %c0_i32 = arith.constant 0 : i32
    %c0_i32_0 = arith.constant 0 : i32
    return %arg0, %c0_i32 : i32, i32
  }
  func.func @transform_3(%arg0: i32) -> (i32, i32) {
    %c0_i32 = arith.constant 0 : i32
    %c0_i32_0 = arith.constant 0 : i32
    return %arg0, %c0_i32 : i32, i32
  }
  func.func @transform_4(%arg0: i32) -> (i32, i32) {
    %c0_i32 = arith.constant 0 : i32
    %c0_i32_0 = arith.constant 0 : i32
    %c0_i32_1 = arith.constant 0 : i32
    return %c0_i32, %c0_i32_0 : i32, i32
  }
  func.func @transform_5(%arg0: i32) -> (i32, i32) {
    %c0_i32 = arith.constant 0 : i32
    %c0_i32_0 = arith.constant 0 : i32
    %c0_i32_1 = arith.constant 0 : i32
    return %c0_i32, %c0_i32_0 : i32, i32
  }
  func.func @transform_6(%arg0: i32) -> (i32, i32) {
    %c0_i32 = arith.constant 0 : i32
    %c0_i32_0 = arith.constant 0 : i32
    %c0_i32_1 = arith.constant 0 : i32
    return %c0_i32, %c0_i32_0 : i32, i32
  }
}

module attributes {stable_mosaic.version = 14 : i64} {
  func.func @_mlp_pass2_body(%arg0: i32, %arg1: memref<1xf32, #tpu.memory_space<smem>>, %arg2: memref<1000x128xf32, #tpu.memory_space<vmem>>, %arg3: memref<1000x128xf32, #tpu.memory_space<vmem>>, %arg4: memref<1000x128xf32, #tpu.memory_space<vmem>>, %arg5: memref<128x256xf32, #tpu.memory_space<vmem>>, %arg6: memref<1x256xf32, #tpu.memory_space<vmem>>, %arg7: memref<2x256xf32, #tpu.memory_space<vmem>>, %arg8: memref<1x256xf32, #tpu.memory_space<vmem>>, %arg9: memref<1x256xf32, #tpu.memory_space<vmem>>, %arg10: memref<256x128xf32, #tpu.memory_space<vmem>>, %arg11: memref<1x128xf32, #tpu.memory_space<vmem>>, %arg12: memref<1000x128xf32, #tpu.memory_space<vmem>>) attributes {dimension_semantics = [#tpu.dimension_semantics<arbitrary>], iteration_bounds = array<i64: 10>, scalar_prefetch = 0 : i64, scratch_operands = 0 : i64, tpu.core_type = #tpu.core_type<tc>, window_params = [{transform_indices = @transform_0, window_bounds = array<i64: 1>}, {transform_indices = @transform_1, window_bounds = array<i64: 1000, 128>}, {transform_indices = @transform_2, window_bounds = array<i64: 1000, 128>}, {transform_indices = @transform_3, window_bounds = array<i64: 1000, 128>}, {pipeline_mode = #tpu.pipeline_mode<synchronous>, transform_indices = @transform_4, window_bounds = array<i64: 128, 256>}, {pipeline_mode = #tpu.pipeline_mode<synchronous>, transform_indices = @transform_5, window_bounds = array<i64: 1, 256>}, {pipeline_mode = #tpu.pipeline_mode<synchronous>, transform_indices = @transform_6, window_bounds = array<i64: 2, 256>}, {pipeline_mode = #tpu.pipeline_mode<synchronous>, transform_indices = @transform_7, window_bounds = array<i64: 1, 256>}, {pipeline_mode = #tpu.pipeline_mode<synchronous>, transform_indices = @transform_8, window_bounds = array<i64: 1, 256>}, {pipeline_mode = #tpu.pipeline_mode<synchronous>, transform_indices = @transform_9, window_bounds = array<i64: 256, 128>}, {pipeline_mode = #tpu.pipeline_mode<synchronous>, transform_indices = @transform_10, window_bounds = array<i64: 1, 128>}, {transform_indices = @transform_11, window_bounds = array<i64: 1000, 128>}]} {
    %get3A = arith.constant 0 : index
    %get3A_0 = memref.load %arg1[%get3A] : memref<1xf32, #tpu.memory_space<smem>>
    %add3A = arith.constant 1.000000e+00 : f32
    %add3A_1 = arith.addf %add3A, %get3A_0 : f32
    %get3A_2 = arith.constant 0 : index
    %get3A_3 = arith.constant 0 : index
    %get3A_4 = vector.load %arg2[%get3A_2, %get3A_3] : memref<1000x128xf32, #tpu.memory_space<vmem>>, vector<1000x128xf32>
    %mul3A = vector.broadcast %add3A_1 : f32 to vector<1000x128xf32>
    %mul3A_5 = arith.mulf %mul3A, %get3A_4 : vector<1000x128xf32>
    %get3A_6 = arith.constant 0 : index
    %get3A_7 = arith.constant 0 : index
    %get3A_8 = vector.load %arg3[%get3A_6, %get3A_7] : memref<1000x128xf32, #tpu.memory_space<vmem>>, vector<1000x128xf32>
    %add3A_9 = arith.addf %mul3A_5, %get3A_8 : vector<1000x128xf32>
    %get3A_10 = arith.constant 0 : index
    %get3A_11 = arith.constant 0 : index
    %get3A_12 = vector.load %arg4[%get3A_10, %get3A_11] : memref<1000x128xf32, #tpu.memory_space<vmem>>, vector<1000x128xf32>
    %add3A_13 = arith.addf %add3A_9, %get3A_12 : vector<1000x128xf32>
    %get3A_14 = arith.constant 0 : index
    %get3A_15 = arith.constant 0 : index
    %get3A_16 = vector.load %arg5[%get3A_14, %get3A_15] : memref<128x256xf32, #tpu.memory_space<vmem>>, vector<128x256xf32>
    %dot_general3A = arith.constant dense<0.000000e+00> : vector<1000x256xf32>
    %dot_general3A_17 = tpu.matmul %add3A_13, %get3A_16, %dot_general3A {dimension_numbers = #tpu.dot_dimension_numbers<[1], [0], [0], [1], [0, 0, 1, 1], [], []>, transpose_lhs_hint = false} : vector<1000x128xf32>, vector<128x256xf32>, vector<1000x256xf32> -> vector<1000x256xf32>
    %get3A_18 = arith.constant 0 : index
    %get3A_19 = arith.constant 0 : index
    %get3A_20 = vector.load %arg6[%get3A_18, %get3A_19] : memref<1x256xf32, #tpu.memory_space<vmem>>, vector<1x256xf32>
    %add3A_21 = vector.broadcast %get3A_20 : vector<1x256xf32> to vector<1000x256xf32>
    %add3A_22 = arith.addf %dot_general3A_17, %add3A_21 : vector<1000x256xf32>
    %get3A_23 = arith.constant 0 : index
    %get3A_24 = arith.constant 0 : index
    %get3A_25 = vector.load %arg7[%get3A_23, %get3A_24] : memref<2x256xf32, #tpu.memory_space<vmem>>, vector<1x256xf32>
    %get3A_26 = vector.shape_cast %get3A_25 : vector<1x256xf32> to vector<256xf32>
    %div3A = arith.constant 1.000000e+04 : f32
    %div3A_27 = vector.broadcast %div3A : f32 to vector<256xf32>
    %div3A_28 = arith.divf %get3A_26, %div3A_27 : vector<256xf32>
    %get3A_29 = arith.constant 1 : index
    %get3A_30 = arith.constant 0 : index
    %get3A_31 = vector.load %arg7[%get3A_29, %get3A_30] : memref<2x256xf32, #tpu.memory_space<vmem>>, vector<1x256xf32>
    %get3A_32 = vector.shape_cast %get3A_31 : vector<1x256xf32> to vector<256xf32>
    %div3A_33 = arith.constant 1.000000e+04 : f32
    %div3A_34 = vector.broadcast %div3A_33 : f32 to vector<256xf32>
    %div3A_35 = arith.divf %get3A_32, %div3A_34 : vector<256xf32>
    %mul3A_36 = arith.mulf %div3A_28, %div3A_28 : vector<256xf32>
    %sub3A = arith.subf %div3A_35, %mul3A_36 : vector<256xf32>
    %broadcast_in_dim3A = vector.shape_cast %div3A_28 : vector<256xf32> to vector<1x256xf32>
    %sub3A_37 = vector.broadcast %broadcast_in_dim3A : vector<1x256xf32> to vector<1000x256xf32>
    %sub3A_38 = arith.subf %add3A_22, %sub3A_37 : vector<1000x256xf32>
    %add3A_39 = arith.constant 9.99999974E-6 : f32
    %add3A_40 = vector.broadcast %add3A_39 : f32 to vector<256xf32>
    %add3A_41 = arith.addf %sub3A, %add3A_40 : vector<256xf32>
    %rsqrt3A = math.rsqrt %add3A_41 : vector<256xf32>
    %broadcast_in_dim3A_42 = vector.shape_cast %rsqrt3A : vector<256xf32> to vector<1x256xf32>
    %mul3A_43 = vector.broadcast %broadcast_in_dim3A_42 : vector<1x256xf32> to vector<1000x256xf32>
    %mul3A_44 = arith.mulf %sub3A_38, %mul3A_43 : vector<1000x256xf32>
    %get3A_45 = arith.constant 0 : index
    %get3A_46 = arith.constant 0 : index
    %get3A_47 = vector.load %arg8[%get3A_45, %get3A_46] : memref<1x256xf32, #tpu.memory_space<vmem>>, vector<1x256xf32>
    %mul3A_48 = vector.broadcast %get3A_47 : vector<1x256xf32> to vector<1000x256xf32>
    %mul3A_49 = arith.mulf %mul3A_44, %mul3A_48 : vector<1000x256xf32>
    %get3A_50 = arith.constant 0 : index
    %get3A_51 = arith.constant 0 : index
    %get3A_52 = vector.load %arg9[%get3A_50, %get3A_51] : memref<1x256xf32, #tpu.memory_space<vmem>>, vector<1x256xf32>
    %add3A_53 = vector.broadcast %get3A_52 : vector<1x256xf32> to vector<1000x256xf32>
    %add3A_54 = arith.addf %mul3A_49, %add3A_53 : vector<1000x256xf32>
    %max3A = arith.constant 0.000000e+00 : f32
    %max3A_55 = vector.broadcast %max3A : f32 to vector<1000x256xf32>
    %max3A_56 = arith.maximumf %add3A_54, %max3A_55 : vector<1000x256xf32>
    %get3A_57 = arith.constant 0 : index
    %get3A_58 = arith.constant 0 : index
    %get3A_59 = vector.load %arg10[%get3A_57, %get3A_58] : memref<256x128xf32, #tpu.memory_space<vmem>>, vector<256x128xf32>
    %dot_general3A_60 = arith.constant dense<0.000000e+00> : vector<1000x128xf32>
    %dot_general3A_61 = tpu.matmul %max3A_56, %get3A_59, %dot_general3A_60 {dimension_numbers = #tpu.dot_dimension_numbers<[1], [0], [0], [1], [0, 0, 1, 1], [], []>, transpose_lhs_hint = false} : vector<1000x256xf32>, vector<256x128xf32>, vector<1000x128xf32> -> vector<1000x128xf32>
    %get3A_62 = arith.constant 0 : index
    %get3A_63 = arith.constant 0 : index
    %get3A_64 = vector.load %arg11[%get3A_62, %get3A_63] : memref<1x128xf32, #tpu.memory_space<vmem>>, vector<1x128xf32>
    %add3A_65 = vector.broadcast %get3A_64 : vector<1x128xf32> to vector<1000x128xf32>
    %add3A_66 = arith.addf %dot_general3A_61, %add3A_65 : vector<1000x128xf32>
    %swap3A = arith.constant 0 : index
    %swap3A_67 = arith.constant 0 : index
    %swap3A_68 = vector.load %arg12[%swap3A, %swap3A_67] : memref<1000x128xf32, #tpu.memory_space<vmem>>, vector<1000x128xf32>
    tpu.vector_store %arg12[%swap3A, %swap3A_67], %add3A_66 {strides = array<i32>} : memref<1000x128xf32, #tpu.memory_space<vmem>>, vector<1000x128xf32>,
    return
  }
  func.func @transform_0(%arg0: i32) -> i32 {
    %c0_i32 = arith.constant 0 : i32
    %c0_i32_0 = arith.constant 0 : i32
    return %c0_i32 : i32
  }
  func.func @transform_1(%arg0: i32) -> (i32, i32) {
    %c0_i32 = arith.constant 0 : i32
    %c0_i32_0 = arith.constant 0 : i32
    return %arg0, %c0_i32 : i32, i32
  }
  func.func @transform_2(%arg0: i32) -> (i32, i32) {
    %c0_i32 = arith.constant 0 : i32
    %c0_i32_0 = arith.constant 0 : i32
    return %arg0, %c0_i32 : i32, i32
  }
  func.func @transform_3(%arg0: i32) -> (i32, i32) {
    %c0_i32 = arith.constant 0 : i32
    %c0_i32_0 = arith.constant 0 : i32
    return %arg0, %c0_i32 : i32, i32
  }
  func.func @transform_4(%arg0: i32) -> (i32, i32) {
    %c0_i32 = arith.constant 0 : i32
    %c0_i32_0 = arith.constant 0 : i32
    %c0_i32_1 = arith.constant 0 : i32
    return %c0_i32, %c0_i32_0 : i32, i32
  }
  func.func @transform_5(%arg0: i32) -> (i32, i32) {
    %c0_i32 = arith.constant 0 : i32
    %c0_i32_0 = arith.constant 0 : i32
    %c0_i32_1 = arith.constant 0 : i32
    return %c0_i32, %c0_i32_0 : i32, i32
  }
  func.func @transform_6(%arg0: i32) -> (i32, i32) {
    %c0_i32 = arith.constant 0 : i32
    %c0_i32_0 = arith.constant 0 : i32
    %c0_i32_1 = arith.constant 0 : i32
    return %c0_i32, %c0_i32_0 : i32, i32
  }
  func.func @transform_7(%arg0: i32) -> (i32, i32) {
    %c0_i32 = arith.constant 0 : i32
    %c0_i32_0 = arith.constant 0 : i32
    %c0_i32_1 = arith.constant 0 : i32
    return %c0_i32, %c0_i32_0 : i32, i32
  }
  func.func @transform_8(%arg0: i32) -> (i32, i32) {
    %c0_i32 = arith.constant 0 : i32
    %c0_i32_0 = arith.constant 0 : i32
    %c0_i32_1 = arith.constant 0 : i32
    return %c0_i32, %c0_i32_0 : i32, i32
  }
  func.func @transform_9(%arg0: i32) -> (i32, i32) {
    %c0_i32 = arith.constant 0 : i32
    %c0_i32_0 = arith.constant 0 : i32
    %c0_i32_1 = arith.constant 0 : i32
    return %c0_i32, %c0_i32_0 : i32, i32
  }
  func.func @transform_10(%arg0: i32) -> (i32, i32) {
    %c0_i32 = arith.constant 0 : i32
    %c0_i32_0 = arith.constant 0 : i32
    %c0_i32_1 = arith.constant 0 : i32
    return %c0_i32, %c0_i32_0 : i32, i32
  }
  func.func @transform_11(%arg0: i32) -> (i32, i32) {
    %c0_i32 = arith.constant 0 : i32
    %c0_i32_0 = arith.constant 0 : i32
    return %arg0, %c0_i32 : i32, i32
  }
}

</mosaic_0001>

<sc_bundles>
// kernel: kernel.5.cloned.1.call-start
scs
__scs_entry_jumppad:
0x0: {  	(pc) =	sbr.rel $0x88, $3  }
0x1: {  	(tag) =	ssettag $0x0;
	lr =	simm.s32 $0x1  }
0x2: {  	[smem:$0x3F97] =	sst lr;
	_ =	strace $0xD0000000  }
0x3: {  	_ = 	snop  }
0x4: {  	_ = 	snop  }
0x5: {  	_ = 	snop  }
0x6: {  	_ = 	snop  }
0x7: {  	_ = 	snop  }
__scs_overlays_trampoline_lowered:
0x8: {  	[smem:$0x3FA6] =	sst s0  }
0x9: {  	[smem:$0x3FA7] =	sst s1  }
0xa: {  	[smem:$0x3FA8] =	sst s2  }
0xb: {  	[smem:$0x3FA9] =	sst s3  }
0xc: {  	[smem:$0x3FAA] =	sst s4  }
0xd: {  	[smem:$0x3FAB] =	sst s5  }
0xe: {  	[smem:$0x3FAC] =	sst s6  }
0xf: {  	[smem:$0x3FAD] =	sst s7  }
0x10: {  	[smem:$0x3FAE] =	sst s8  }
0x11: {  	[smem:$0x3FAF] =	sst s9;
	s0 =	simm.s32 @!p0 $0x0  }
0x12: {  	s1 =	sld [smem:$0x3F95];
	s0 =	simm.s32 @p0 $0x1  }
0x13: {  	[smem:$0x3FB0] =	sst s0;
	s0 =	simm.s32 @!p1 $0x0  }
0x14: {  	s2 =	sld [smem:$0x3F94];
	s0 =	simm.s32 @p1 $0x1  }
0x15: {  	[smem:$0x3FB1] =	sst s0;
	s0 =	simm.s32 @!p2 $0x0  }
0x16: {  	s3 =	sld [smem:$0x3FDB];
	s0 =	simm.s32 @p2 $0x1  }
0x17: {  	s4 =	simm.s32 $0x1BF5;
	[smem:$0x3FB3] =	sst s0  }
0x18: {  	s0 =	sld [smem:$0x3F96];
	_ =	swait.ge [sflag:s4], $0x0  }
0x19: {  	s7 =	sld [smem:$0x3F97]  }
0x1a: {  	s8 =	sadd.s32 $0xFFFFE003, lr  }
0x1b: {  	s9 =	sadd.s32 $0xFFFFFEF7, lr;
	s5 =	simm.s32 $0xFFFFFFFF;
	p2 =	slt.u32 s8, $0xFFFFF086  }
0x1c: {  	p1 =	slt.u32 s9, $0xF7A;
	s5 =	simm.s32 @!p2 $0x0  }
0x1d: {  	s5 =	simm.s32 @p1 $0x1;
	p0 =	seq.s32 s7, s2  }
0x1e: {  	s7 =	smul.u32 @!p0 $0xF7A, s2;
	p2 =	seq.s32 @!p0 s5, $0x0  }
0x1f: {  	s9 =	smul.u32 $0xF7A, s1;
	s8 =	simm.s32 @!p0 $0x1BF5;
	p2 =	por !p2, p0  }
0x20: {  	[sflag:s8] =	ssyncset.s32 @!p0 $0xFFFFF086;
	s6 =	sadd.s32 @!p0 s3, s7;
	s7 =	simm.s32 @!p0 $0x108  }
0x21: {  	s3 =	sadd.s32 s3, s9;
	s6 =	sadd.s32 @!p0 $0x88, s6;
	s7 =	simm.s32 @p2 $0x1082  }
0x22: {  	[simem:s7], [sflag:s8] =	dma.local @!p0 [hbm:s6], $0xF7A  }
0x23: {  	s9 =	sor.u32 $0xD0000000, s2;
	s6 =	simm.s32 $0x108;
	_ =	swait.ge @!p0 [sflag:s8], $0x0  }
0x24: {  	s3 =	sadd.s32 $0x88, s3;
	s6 =	simm.s32 @!p1 $0x1082;
	[sflag:s4] =	ssyncset.s32 $0xFFFFF086  }
0x25: {  	[simem:s6], [sflag:s4] =	dma.local [hbm:s3], $0xF7A  }
0x26: {  	[smem:$0x3F97] =	sst s1;
	(tag) =	ssettag s2;
	_ =	strace s9  }
0x27: {  	s1 =	sld [smem:$0x3FA7]  }
0x28: {  	s2 =	sld [smem:$0x3FA8]  }
0x29: {  	s4 =	sld [smem:$0x3FAA]  }
0x2a: {  	p0 =	seq.s32 s5, $0x0;
	s5 =	sld [smem:$0x3FAB]  }
0x2b: {  	s6 =	sld [smem:$0x3FAC]  }
0x2c: {  	s7 =	sld [smem:$0x3FAD]  }
0x2d: {  	s3 =	simm.s32 $0x108;
	s8 =	sld [smem:$0x3FAE]  }
0x2e: {  	s3 =	simm.s32 @!p0 $0x1082;
	s9 =	sld [smem:$0x3FAF]  }
0x2f: {  	lr =	sadd.s32 s0, s3;
	s0 =	sld [smem:$0x3FA6]  }
0x30: {  	s3 =	sld [smem:$0x3FA9]  }
0x31: {  	[smem:$0x3FB2] =	sst s10  }
0x32: {  	s10 =	sld [smem:$0x3FB0];
	_ =	sdelay $0x3  }
0x33: {  	p0 =	seq.s32 s10, $0x1;
	s10 =	sld [smem:$0x3FB2];
	_ =	sdelay $0x3  }
0x34: {  	[smem:$0x3FB2] =	sst s10  }
0x35: {  	s10 =	sld [smem:$0x3FB1];
	_ =	sdelay $0x3  }
0x36: {  	p1 =	seq.s32 s10, $0x1;
	s10 =	sld [smem:$0x3FB2];
	_ =	sdelay $0x3  }
0x37: {  	[smem:$0x3FB2] =	sst s10  }
0x38: {  	s10 =	sld [smem:$0x3FB3]  }
0x39: {  	_ = 	snop;
	(pc) =	sbr.ind lr, $3  }
0x3a: {  	_ = 	snop  }
0x3b: {  	_ = 	snop  }
0x3c: {  	p2 =	seq.s32 s10, $0x1;
	s10 =	sld [smem:$0x3FB2]  }
0x3d: {  	_ =	shalt  }
0x3e: {  	_ =	shalt  }
0x3f: {  	_ =	shalt  }
0x40: {  	_ =	shalt  }
0x41: {  	_ =	shalt  }
0x42: {  	_ =	shalt  }
0x43: {  	_ =	shalt  }
0x44: {  	_ =	shalt  }
0x45: {  	_ =	shalt  }
0x46: {  	_ =	shalt  }
0x47: {  	_ =	shalt  }
0x48: {  	_ =	shalt  }
0x49: {  	_ =	shalt  }
0x4a: {  	_ =	shalt  }
0x4b: {  	_ =	shalt  }
0x4c: {  	_ =	shalt  }
0x4d: {  	_ =	shalt  }
0x4e: {  	_ =	shalt  }
0x4f: {  	_ =	shalt  }
0x50: {  	_ =	shalt  }
0x51: {  	_ =	shalt  }
0x52: {  	_ =	shalt  }
0x53: {  	_ =	shalt  }
0x54: {  	_ =	shalt  }
0x55: {  	_ =	shalt  }
0x56: {  	_ =	shalt  }
0x57: {  	_ =	shalt  }
0x58: {  	_ =	shalt  }
0x59: {  	_ =	shalt  }
0x5a: {  	_ =	shalt  }
0x5b: {  	_ =	shalt  }
0x5c: {  	_ =	shalt  }
0x5d: {  	_ =	shalt  }
0x5e: {  	_ =	shalt  }
0x5f: {  	_ =	shalt  }
0x60: {  	_ =	shalt  }
0x61: {  	_ =	shalt  }
0x62: {  	_ =	shalt  }
0x63: {  	_ =	shalt  }
0x64: {  	_ =	shalt  }
0x65: {  	_ =	shalt  }
0x66: {  	_ =	shalt  }
0x67: {  	_ =	shalt  }
0x68: {  	_ =	shalt  }
0x69: {  	_ =	shalt  }
0x6a: {  	_ =	shalt  }
0x6b: {  	_ =	shalt  }
0x6c: {  	_ =	shalt  }
0x6d: {  	_ =	shalt  }
0x6e: {  	_ =	shalt  }
0x6f: {  	_ =	shalt  }
0x70: {  	_ =	shalt  }
0x71: {  	_ =	shalt  }
0x72: {  	_ =	shalt  }
0x73: {  	_ =	shalt  }
0x74: {  	_ =	shalt  }
0x75: {  	_ =	shalt  }
0x76: {  	_ =	shalt  }
0x77: {  	_ =	shalt  }
0x78: {  	_ =	shalt  }
0x79: {  	_ =	shalt  }
0x7a: {  	_ =	shalt  }
0x7b: {  	_ =	shalt  }
0x7c: {  	_ =	shalt  }
0x7d: {  	_ =	shalt  }
0x7e: {  	_ =	shalt  }
0x7f: {  	_ =	shalt  }
0x80: {  	_ =	shalt  }
0x81: {  	_ =	shalt  }
0x82: {  	_ =	shalt  }
0x83: {  	_ =	shalt  }
0x84: {  	_ =	shalt  }
0x85: {  	_ =	shalt  }
0x86: {  	_ =	shalt  }
0x87: {  	_ =	shalt  }
.Lfunc_end0:
.L_simem_size_0:
called_computation_lowered:
.L_overlay_start_0:
0x88: {  	s2 =	sld [smem:$0x3FD9]  }
0x89: {  	s3 =	sld [smem:$0x3FFE];
	_ =	sdelay $0x1  }
0x8a: {  	s1 =	srdreg.scid  }
0x8b: {  	s0 =	sand.u32 $0x1, s1  }
0x8c: {  	s17 =	sshll.u32 s0, $0xA;
	s2 =	sadd.s32 s3, s2  }
0x8d: {  	s2 =	sadd.s32 s2, s17  }
0x8e: {  	[smem:$0x3FBE] =	sst s2  }
0x8f: {  	_ = 	snop  }
0x90: {  	s2 =	sld [smem:$0x3FC9]  }
0x91: {  	s18 =	sld [smem:$0x3FC7]  }
0x92: {  	s4 =	sld [smem:$0x3FD0];
	(tm) =	ssettm $0x1  }
0x93: {  	s5 =	sld [smem:$0x3FFB];
	_ =	sdelay $0x3  }
0x94: {  	_ =	strace s5  }
0x95: {  	s5 =	sld [smem:$0x3FFC];
	_ =	sdelay $0x3  }
0x96: {  	_ =	strace s5  }
0x97: {  	s5 =	sld [smem:$0x3FFD];
	_ =	sdelay $0x3  }
0x98: {  	_ =	strace s5  }
0x99: {  	_ =	strace $0x8FFFFFFF  }
0x9a: {  	s19 =	sld [smem:$0x3FDB];
	_ =	sdelay $0x1  }
0x9b: {  	s6 =	simm.s32 $_scs_section_size  }
0x9c: {  	s7 =	simm.s32 $_size__tile_overlayer_lowered;
	s8 =	simm.s32 $_tile_overlayer_lowered  }
0x9d: {  	s22 =	simm.s32 $0x1BFF;
	s21 =	sshll.u32 s8, $0x1;
	s5 =	sadd.s32 s6, s19  }
0x9e: {  	s9 =	simm.s32 $0x0;
	s20 =	sshll.u32 s7, $0x1;
	s7 =	sadd.s32 s21, s5  }
0x9f: {  	[timem:s9], [sflag:s22] =	dma.local [hbm:s7], s20  }
0xa0: {  	_ =	swait.ge [sflag:s22], s20  }
0xa1: {  	s6 =	ssub.s32 $0x0, s20;
	[sflag:s22] =	ssyncset.done $0x0  }
0xa2: {  	[sflag:s22] =	ssyncadd.s32 s6;
	_ =	sdelay $0x1  }
0xa3: {  	s23 =	simm.s32 $0x1B8B  }
0xa4: {  	_ =	swait.ge [sflag:s23], $0x1  }
0xa5: {  	[sflag:s23] =	ssyncset.done $0x0  }
0xa6: {  	s25 =	simm.s32 $0x1B8E;
	s24 =	sld [smem:$0x3FFE];
	[sflag:s23] =	ssyncadd.s32 $0xFFFFFFFF  }
0xa7: {  	s26 =	simm.s32 $execute0_lowered;
	[smem:$0x3FD2] =	sst s25  }
0xa8: {  	s7 =	sshll.u32 s26, $0x1;
	_ =	strace $0x80000046;
	[dreg:$0x1] =	wrdreg $0xFFFFFFFF  }
0xa9: {  	s28 =	simm.s32 $_size_execute0_lowered;
	s5 =	sadd.s32 s5, s7;
	[dreg:$0x0] =	wrdreg $0x0  }
0xaa: {  	s7 =	sshll.u32 s28, $0x1;
	[dreg:$0x2] =	wrdreg s5  }
0xab: {  	[dreg:$0x3] =	wrdreg s7  }
0xac: {  	[dreg:$0x4] =	wrdreg $0xC0  }
0xad: {  	_ =	task [dreg:s9], $0x5FFFF  }
0xae: {  	[dreg:$0x1] =	wrdreg $0xFFFFFFFF  }
0xaf: {  	[dreg:$0x0] =	wrdreg $0x60  }
0xb0: {  	[dreg:$0x2] =	wrdreg s2  }
0xb1: {  	[dreg:$0x3] =	wrdreg s4  }
0xb2: {  	[dreg:$0x4] =	wrdreg s24  }
0xb3: {  	[dreg:$0x5] =	wrdreg s18  }
0xb4: {  	[dreg:$0x6] =	wrdreg $0xAC000  }
0xb5: {  	[dreg:$0x7] =	wrdreg $0x9  }
0xb6: {  	_ =	task.clear_ibuf [dreg:s9], $0x8FFFF;
	_ =	strace $0x90000046  }
0xb7: {  	s29 =	simm.s32 $0x9;
	_ =	strace $0x80000048  }
0xb8: {  	_ =	swait.ge [sflag:s29], $0x1  }
0xb9: {  	[sflag:s29] =	ssyncadd.s32 $0xFFFFFFFF  }
0xba: {  	_ =	strace $0x90000048  }
0xbb: {  	_ =	sfence  }
0xbc: {  	s30 =	sld [smem:$0x0];
	_ =	sdelay $0x2  }
0xbd: {  	s31 =	sshll.u32 s1, $0xD;
	s1 =	sshrl.u32 s1, $0x2  }
0xbe: {  	s3 =	sand.u32 $0x4000, s31;
	s1 =	sadd.s32 s1, s30  }
0xbf: {  	s0 =	sor.u32 s3, s0;
	s1 =	sshll.u32 s1, $0x11  }
0xc0: {  	s0 =	sor.u32 s1, s0  }
0xc1: {  	s0 =	sadd.s32 $0x8F2B, s0  }
0xc2: {  	[sflag:s0] =	ssyncadd.remote.s32 $0x1  }
0xc3: {  	_ =	sfence.sel $0xFFFF  }
0xc4: {  	[dreg:$0x0] =	wrdreg $0xFFFFFFFF;
	(pc) =	sbr.abs _section_cstart, $3  }
0xc5: {  	[dreg:$0x1] =	wrdreg $0xFFFFFFFF  }
0xc6: {  	_ =	task.clear_ibuf [dreg:s9], $0x2FFFF;
	_ =	strace $0x9FFFFFFF  }
0xc7: {  	(tm) =	ssettm $0x7FFFFFFF  }
tec
execute0_lowered:
.L_overlay_start_1:
0x0: {  	(tag) =	ssettag $0x1  }
0x1: {  	s1 =	rddreg [dreg:$0x0]  }
0x2: {  	s0 =	srdreg.scid;
	s2 =	rddreg [dreg:$0x1]  }
0x3: {  	s21 =	stileid.u32;
	s5 =	rddreg [dreg:$0x2];
	s3 =	simm.s32 $0x0  }
0x4: {  	s0 =	sand.u32 $0x1, s0;
	s4 =	sshll.u32 s21, $0x1;
	s11 =	smul.u32 $0x2800, s21  }
0x5: {  	[smem:$0x7FF] =	sst s3;
	s12 =	sor.u32 $0x20, s21;
	s10 =	smul.u32 $0x138800, s0  }
0x6: {  	s8 =	sadd.s32 $0xB200, s5;
	s13 =	sor.u32 $0x30, s21;
	s18 =	smul.u32 $0x2800, s12  }
0x7: {  	s15 =	sor.u32 $0x40, s21;
	s16 =	sor.u32 $0x50, s21;
	s24 =	smul.u32 $0x2800, s13  }
0x8: {  	s17 =	sor.u32 $0x60, s21;
	s19 =	sor.u32 $0x70, s21;
	s26 =	smul.u32 $0x2800, s15  }
0x9: {  	s4 =	sor.u32 s0, s4;
	s7 =	ssub.s32 $0x2, s0;
	s0 =	smul.u32 $0x2800, s0  }
0xa: {  	p0 =	sgt.u32 s19, $0x7C;
	s6 =	smul.u32 $0x2800, s4;
	s9 =	sshrl.u32 s7, $0x1  }
0xb: {  	s4 =	smul.u32 $0x138800, s4;
	p1 =	sne.s32 @!p0 s21, $0x0;
	s7 =	ssub.s32 s7, s9  }
0xc: {  	s9 =	sor.u32 $0x10, s21;
	s11 =	sadd.s32 s10, s11;
	s23 =	sadd.s32 s10, s18  }
0xd: {  	s20 =	sadd.s32 s10, s24;
	p1 =	por p1, p0;
	s14 =	smul.u32 $0x2800, s9  }
0xe: {  	s11 =	sshrl.u32 s11, $0x3;
	s25 =	sshrl.u32 s23, $0x3;
	s6 =	sshrl.u32 s6, $0x3  }
0xf: {  	s9 =	smul.u32 $0xA000, s9;
	s18 =	sshrl.u32 s4, $0x3;
	s11 =	sadd.s32 s8, s11  }
0x10: {  	s5 =	sadd.s32 s6, s5;
	[dreg:$0x6] =	wrdreg s11;
	s22 =	sadd.s32 s10, s14  }
0x11: {  	s14 =	sadd.s32 s10, s26;
	s11 =	sshrl.u32 s22, $0x3;
	s22 =	smul.u32 $0x2800, s16  }
0x12: {  	s26 =	smul.u32 $0x2800, s19;
	s23 =	sshrl.u32 s14, $0x3;
	s11 =	sadd.s32 s8, s11  }
0x13: {  	[dreg:$0x7] =	wrdreg s11;
	s11 =	sadd.s32 s8, s25;
	s24 =	sadd.s32 s10, s22  }
0x14: {  	[dreg:$0x8] =	wrdreg s11;
	s11 =	sshrl.u32 s20, $0x3;
	s20 =	smul.u32 $0x2800, s17  }
0x15: {  	s14 =	sshrl.u32 s24, $0x3;
	s24 =	rddreg [dreg:$0x3];
	s11 =	sadd.s32 s8, s11  }
0x16: {  	s5 =	sadd.s32 $0x1200, s5;
	s14 =	sadd.s32 s8, s14;
	[dreg:$0x9] =	wrdreg s11  }
0x17: {  	s9 =	sshrl.u32 s9, $0x2;
	s25 =	sadd.s32 s10, s20;
	[dreg:$0xb] =	wrdreg s14  }
0x18: {  	s11 =	sadd.s32 s8, s23;
	s23 =	sadd.s32 s10, s26;
	s14 =	rddreg [dreg:$0x4]  }
0x19: {  	s26 =	smul.u32 $0x5000, s21;
	[dreg:$0xa] =	wrdreg s11;
	s22 =	sshrl.u32 s25, $0x3  }
0x1a: {  	s25 =	smul.u32 $0x271000, s21;
	s20 =	sadd.s32 s9, s14;
	s11 =	sadd.s32 s8, s22  }
0x1b: {  	[dreg:$0xc] =	wrdreg s11;
	s11 =	sshrl.u32 s23, $0x3;
	s23 =	smul.u32 $0xA000, s21  }
0x1c: {  	s9 =	simm.s32 $0x3;
	s10 =	sadd.s32 s10, s25;
	s25 =	smul.u32 $0xA000, s12  }
0x1d: {  	s0 =	sadd.s32 s0, s26;
	s22 =	sadd.s32 s24, s18;
	s12 =	smul.u32 $0xA000, s16  }
0x1e: {  	s26 =	smax.u32 s7, $0x1;
	s24 =	sadd.s32 $0x27000, s22;
	s16 =	smul.u32 $0xA000, s19  }
0x1f: {  	s30 =	sor.u32 $0x80, s0;
	s8 =	sadd.s32 s8, s11;
	s11 =	smul.u32 $0xA000, s15  }
0x20: {  	s0 =	simm.s32 $0x2C00;
	s15 =	smul.u32 $0xA000, s17;
	[dreg:$0xd] =	wrdreg s8  }
0x21: {  	s29 =	sadd.s32 $0x4000, s10;
	_ =	strace $0x80000047;
	[dreg:$0xe] =	wrdreg s4  }
0x22: {  	s10 =	simm.s32 $0x80;
	s7 =	sshrl.u32 s23, $0x2;
	[dreg:$0xf] =	wrdreg s5  }
0x23: {  	s8 =	smul.u32 $0xA000, s13;
	s22 =	sshrl.u32 s12, $0x2;
	[dreg:$0x11] =	wrdreg s24  }
0x24: {  	s12 =	simm.s32 $0x4;
	s4 =	sadd.s32 s2, s6;
	[dreg:$0x12] =	wrdreg s26  }
0x25: {  	s18 =	sadd.s32 s7, s14;
	s6 =	sshrl.u32 s11, $0x2;
	s23 =	sshrl.u32 s15, $0x2  }
0x26: {  	s24 =	sshrl.u32 s16, $0x2;
	s5 =	simm.s32 $0x40;
	s7 =	simm.s32 $0x6C00  }
0x27: {  	s16 =	simm.s32 $0x5;
	[dreg:$0x10] =	wrdreg s4;
	s4 =	sshrl.u32 s25, $0x2  }
0x28: {  	s13 =	sshrl.u32 s8, $0x2;
	s17 =	sadd.s32 s6, s14;
	s26 =	sadd.s32 s23, s14  }
0x29: {  	s28 =	sadd.s32 s24, s14;
	s25 =	sadd.s32 $0x138800, s14;
	s6 =	simm.s32 $0x4C00  }
0x2a: {  	s8 =	simm.s32 $0x1;
	s31 =	sadd.s32 s4, s14;
	[dreg:$0x13] =	wrdreg s17  }
0x2b: {  	s19 =	sadd.s32 s13, s14;
	s4 =	sadd.s32 s22, s14;
	[dreg:$0x15] =	wrdreg s25  }
0x2c: {  	v0 =	vimm.f32 $0.0e+00;
	s13 =	simm.s32 $0x2;
	s17 =	simm.s32 $0x0;
	[dreg:$0x14] =	wrdreg s4  }
.LBB2_1:
0x2d: {  	s4 =	rddreg [dreg:$0xf]  }
0x2e: {  	[tilespmem:s3], [sflag:$0x4] =	stream.linear.gather [hbm4b:s4+s3], $0x2800, $0x38;
	[tilespmem:$0x1E4C0] =	vst v63  }
0x2f: {  	_ =	swait.ge [sflag:s12], $0x2800  }
0x30: {  	[sflag:s12] =	ssyncset.done $0x0  }
0x31: {  	s15 =	simm.s32 $0x200;
	s4 =	simm.s32 $0x0;
	[sflag:s12] =	ssyncadd.s32 $0xFFFFD800  }
.LBB2_2:
0x32: {  	p2 =	sne.s32 s15, $0x9E00;
	[tilespmem:s4+$0x2C70] =	vst v0  }
0x33: {  	[tilespmem:s4+$0x2C00] =	vst v0  }
0x34: {  	[tilespmem:s4+$0x2C10] =	vst v0  }
.Ltmp0:
0x35: {  	[tilespmem:s4+$0x2C20] =	vst v0;
	(pc) =	sbr.rel @p2 .LBB2_2-.Ltmp0, $4  }
0x36: {  	[tilespmem:s4+$0x2C30] =	vst v0  }
0x37: {  	[tilespmem:s4+$0x2C40] =	vst v0  }
0x38: {  	[tilespmem:s4+$0x2C50] =	vst v0  }
0x39: {  	[tilespmem:s4+$0x2C60] =	vst v0;
	s4 =	sshra.s32 s15, $0x2;
	s15 =	sadd.s32 $0x200, s15  }
0x3a: {  	[tilespmem:s4+$0x2C70] =	vst v0  }
0x3b: {  	[tilespmem:s4+$0x2C00] =	vst v0  }
0x3c: {  	[tilespmem:s4+$0x2C10] =	vst v0  }
0x3d: {  	[tilespmem:s4+$0x2C20] =	vst v0  }
0x3e: {  	[tilespmem:s4+$0x2C30] =	vst v0  }
0x3f: {  	[tilespmem:s4+$0x2C40] =	vst v0  }
0x40: {  	[tilespmem:s4+$0x2C50] =	vst v0  }
0x41: {  	[tilespmem:s4+$0x2C60] =	vst v0  }
0x42: {  	[spmem:s18] =	stream.linear.scatter [tilespmem:s0], [sflag:$0x4], $0x2800, $0x38;
	[tilespmem:$0x1E4C0] =	vst v63  }
0x43: {  	_ =	swait.ge [sflag:s12], $0x2800  }
0x44: {  	[sflag:s12] =	ssyncset.done $0x0  }
0x45: {  	[sflag:s12] =	ssyncadd.s32 $0xFFFFD800  }
0x46: {  	[spmem:s20] =	stream.linear.scatter [tilespmem:s0], [sflag:$0x4], $0x2800, $0x38;
	[tilespmem:$0x1E4C0] =	vst v63  }
0x47: {  	_ =	swait.ge [sflag:s12], $0x2800  }
0x48: {  	[sflag:s12] =	ssyncset.done $0x0  }
0x49: {  	[sflag:s12] =	ssyncadd.s32 $0xFFFFD800  }
0x4a: {  	[spmem:s31] =	stream.linear.scatter [tilespmem:s0], [sflag:$0x4], $0x2800, $0x38;
	[tilespmem:$0x1E4C0] =	vst v63  }
0x4b: {  	_ =	swait.ge [sflag:s12], $0x2800  }
0x4c: {  	[sflag:s12] =	ssyncset.done $0x0  }
0x4d: {  	[sflag:s12] =	ssyncadd.s32 $0xFFFFD800  }
0x4e: {  	[spmem:s19] =	stream.linear.scatter [tilespmem:s0], [sflag:$0x4], $0x2800, $0x38;
	[tilespmem:$0x1E4C0] =	vst v63  }
0x4f: {  	_ =	swait.ge [sflag:s12], $0x2800  }
0x50: {  	[sflag:s12] =	ssyncset.done $0x0  }
0x51: {  	s22 =	smov.u32 s18;
	s18 =	rddreg [dreg:$0x13];
	[sflag:s12] =	ssyncadd.s32 $0xFFFFD800  }
0x52: {  	[spmem:s18] =	stream.linear.scatter [tilespmem:s0], [sflag:$0x4], $0x2800, $0x38;
	[tilespmem:$0x1E4C0] =	vst v63  }
0x53: {  	_ =	swait.ge [sflag:s12], $0x2800  }
0x54: {  	[sflag:s12] =	ssyncset.done $0x0  }
0x55: {  	s25 =	smov.u32 s19;
	s19 =	rddreg [dreg:$0x14];
	[sflag:s12] =	ssyncadd.s32 $0xFFFFD800  }
0x56: {  	[spmem:s19] =	stream.linear.scatter [tilespmem:s0], [sflag:$0x4], $0x2800, $0x38;
	[tilespmem:$0x1E4C0] =	vst v63  }
0x57: {  	_ =	swait.ge [sflag:s12], $0x2800  }
0x58: {  	[sflag:s12] =	ssyncset.done $0x0  }
0x59: {  	[sflag:s12] =	ssyncadd.s32 $0xFFFFD800  }
0x5a: {  	[spmem:s26] =	stream.linear.scatter [tilespmem:s0], [sflag:$0x4], $0x2800, $0x38;
	[tilespmem:$0x1E4C0] =	vst v63  }
0x5b: {  	_ =	swait.ge [sflag:s12], $0x2800  }
0x5c: {  	[sflag:s12] =	ssyncset.done $0x0  }
0x5d: {  	s4 =	simm.s32 @!p0 $0x2C00;
	[sflag:s12] =	ssyncadd.s32 $0xFFFFD800  }
0x5e: {  	[spmem:s28] =	stream.linear.scatter @!p0 [tilespmem:s4], [sflag:$0x4], $0x2800, $0x38;
	[tilespmem:$0x1E4C0] =	vst v63  }
0x5f: {  	s4 =	simm.s32 @!p0 $0x4  }
0x60: {  	_ =	swait.ge @!p0 [sflag:s4], $0x2800  }
0x61: {  	[sflag:s4] =	ssyncset.done @!p0 $0x0  }
0x62: {  	s11 =	rddreg [dreg:$0x15];
	[sflag:s4] =	ssyncadd.s32 @!p0 $0xFFFFD800;
	s4 =	simm.s32 @!p1 $0x2C00  }
0x63: {  	[spmem:s11] =	stream.linear.scatter @!p1 [tilespmem:s4], [sflag:$0x4], $0x400, $0x38;
	[tilespmem:$0x1E4C0] =	vst v63  }
0x64: {  	s4 =	simm.s32 @!p1 $0x4  }
0x65: {  	_ =	swait.ge @!p1 [sflag:s4], $0x400  }
0x66: {  	[sflag:s4] =	ssyncset.done @!p1 $0x0  }
0x67: {  	[sflag:s4] =	ssyncadd.s32 @!p1 $0xFFFFFC00  }
0x68: {  	s23 =	smov.u32 s20;
	[bflag:$0x0] =	sbarrier.arrive $0xFFFF  }
0x69: {  	s21 =	simm.s32 $0x2800;
	s18 =	simm.s32 $0x0;
	s20 =	rddreg [dreg:$0x10]  }
0x6a: {  	[tilespmem:s21], [sflag:$0x4] =	stream.linear.gather [hbm4b:s20+s18], $0x400, $0x38;
	[tilespmem:$0x1E4C0] =	vst v63  }
0x6b: {  	_ =	swait.ge [sflag:s12], $0x400  }
0x6c: {  	[sflag:s12] =	ssyncset.done $0x0  }
0x6d: {  	[sflag:s12] =	ssyncadd.s32 $0xFFFFFC00  }
0x6e: {  	[tilespmem:s0], [sflag:$0x1] =	stream.indirect.gather [hbm4b:s1+s5], $0x80, s21, s5, $0xb8;
	[tilespmem:$0x1E4C0] =	vst v63  }
0x6f: {  	s24 =	smov.u32 s31;
	s31 =	simm.s32 $0x2840;
	s15 =	rddreg [dreg:$0xe]  }
0x70: {  	[tilespmem:s6], [sflag:$0x3] =	stream.indirect.gather [hbm4b:s1+s5], $0x80, s31, s5, $0xb8;
	[tilespmem:$0x1E4C0] =	vst v63  }
.LBB2_4:
0x71: {  	s4 =	sshrl.u32 s15, $0x3;
	s11 =	rddreg [dreg:$0x3]  }
0x72: {  	s31 =	sadd.s32 $0x1, s18;
	s20 =	sshll.u32 s18, $0xE;
	s19 =	sshll.u32 s18, $0x7  }
0x73: {  	s21 =	sshll.u32 s18, $0x9;
	s4 =	sadd.s32 s11, s4;
	s15 =	sadd.s32 s20, s29  }
0x74: {  	[tilespmem:s7], [sflag:$0x2] =	stream.linear.gather [hbm4b:s4+s3], $0x4000, $0x38;
	[tilespmem:$0x1E4C0] =	vst v63  }
0x75: {  	s19 =	sadd.s32 s19, s30;
	s18 =	smov.u32 s31;
	s4 =	sshra.s32 s21, $0x2  }
.LBB2_5:
0x76: {  	_ =	swait.ge [sflag:s8], $0x2000  }
0x77: {  	[sflag:s8] =	ssyncset.done $0x0  }
0x78: {  	[sflag:s8] =	ssyncadd.s32 $0xFFFFE000  }
0x79: {  	_ =	swait.ge [sflag:s9], $0x2000  }
0x7a: {  	[sflag:s9] =	ssyncset.done $0x0  }
0x7b: {  	s31 =	sand.u32 $0x7, s18;
	[sflag:s9] =	ssyncadd.s32 $0xFFFFE000  }
0x7c: {  	[spmem:s14] =	stream.indirect.scatter.add.f32 [tilespmem:s0], [sflag:$0x4], $0x80, s4, s10, $0xb8;
	[tilespmem:$0x1E4C0] =	vst v63  }
0x7d: {  	p2 =	sne.s32 s31, $0x0;
	_ =	swait.ge [sflag:s12], $0x4000  }
0x7e: {  	s11 =	sshrl.u32 @!p2 s19, $0x3;
	s20 =	simm.s32 @!p2 $0x0;
	[sflag:s12] =	ssyncset.done $0x0  }
0x7f: {  	s21 =	simm.s32 @!p2 $0x2800;
	s11 =	sadd.s32 @!p2 s2, s11;
	[sflag:s12] =	ssyncadd.s32 $0xFFFFC000  }
0x80: {  	[tilespmem:s21], [sflag:$0x4] =	stream.linear.gather @!p2 [hbm4b:s11+s20], $0x400, $0x38;
	[tilespmem:$0x1E4C0] =	vst v63  }
0x81: {  	s11 =	simm.s32 @!p2 $0x4  }
0x82: {  	_ =	swait.ge @!p2 [sflag:s11], $0x400  }
0x83: {  	s21 =	sshll.u32 s31, $0x7;
	[sflag:s11] =	ssyncset.done @!p2 $0x0  }
0x84: {  	s31 =	sor.u32 $0x2800, s21;
	[sflag:s11] =	ssyncadd.s32 @!p2 $0xFFFFFC00  }
0x85: {  	[tilespmem:s0], [sflag:$0x1] =	stream.indirect.gather [hbm4b:s1+s5], $0x80, s31, s5, $0xb8;
	[tilespmem:$0x1E4C0] =	vst v63  }
0x86: {  	s21 =	sor.u32 $0x2840, s21  }
0x87: {  	[tilespmem:s6], [sflag:$0x3] =	stream.indirect.gather [hbm4b:s1+s5], $0x80, s21, s5, $0xb8;
	[tilespmem:$0x1E4C0] =	vst v63  }
0x88: {  	s31 =	sadd.s32 $0xFFFFFFFF, s18;
	_ =	swait.ge [sflag:s13], $0x4000  }
0x89: {  	p2 =	slt.u32 s31, $0x4D;
	[sflag:s13] =	ssyncset.done $0x0  }
.Ltmp1:
0x8a: {  	[sflag:s13] =	ssyncadd.s32 $0xFFFFC000;
	(pc) =	sbr.rel @p2 .LBB2_4-.Ltmp1, $4  }
0x8b: {  	[spmem:s14] =	stream.indirect.scatter.add.f32 [tilespmem:s7], [sflag:$0x4], $0x80, s4, s10, $0xb8;
	[tilespmem:$0x1E4C0] =	vst v63  }
0x8c: {  	_ =	swait.ge [sflag:s12], $0x4000  }
0x8d: {  	[sflag:s12] =	ssyncset.done $0x0  }
0x8e: {  	[sflag:s12] =	ssyncadd.s32 $0xFFFFC000  }
0x8f: {  	s18 =	sadd.s32 $0x1, s18  }
0x90: {  	p2 =	sne.s32 s18, $0x4F  }
.Ltmp2:
0x91: {  	_ = 	snop;
	(pc) =	sbr.rel @p2 .LBB2_5-.Ltmp2, $2  }
0x92: {  	_ =	sdelay $0x2  }
0x93: {  	s15 =	sadd.s32 $0x4000, s15;
	s19 =	sadd.s32 $0x80, s19;
	s4 =	sadd.s32 $0x80, s4  }
0x94: {  	s4 =	rddreg [dreg:$0x11]  }
0x95: {  	[tilespmem:s7], [sflag:$0x2] =	stream.linear.gather [hbm4b:s4+s3], $0x800, $0x38;
	[tilespmem:$0x1E4C0] =	vst v63  }
0x96: {  	_ =	swait.ge [sflag:s8], $0x2000  }
0x97: {  	[sflag:s8] =	ssyncset.done $0x0  }
0x98: {  	[sflag:s8] =	ssyncadd.s32 $0xFFFFE000  }
0x99: {  	_ =	swait.ge [sflag:s9], $0x2000  }
0x9a: {  	[sflag:s9] =	ssyncset.done $0x0  }
0x9b: {  	s21 =	simm.s32 $0x2700;
	[sflag:s9] =	ssyncadd.s32 $0xFFFFE000  }
0x9c: {  	[spmem:s14] =	stream.indirect.scatter.add.f32 [tilespmem:s0], [sflag:$0x4], $0x80, s21, s10, $0xb8;
	[tilespmem:$0x1E4C0] =	vst v63  }
0x9d: {  	_ =	swait.ge [sflag:s12], $0x4000  }
0x9e: {  	[sflag:s12] =	ssyncset.done $0x0  }
0x9f: {  	[sflag:s12] =	ssyncadd.s32 $0xFFFFC000  }
0xa0: {  	_ =	swait.ge [sflag:s13], $0x800  }
0xa1: {  	[sflag:s13] =	ssyncset.done $0x0  }
0xa2: {  	[sflag:s13] =	ssyncadd.s32 $0xFFFFF800  }
0xa3: {  	[spmem:s14] =	stream.indirect.scatter.add.f32 [tilespmem:s7], [sflag:$0x4], $0x80, s21, s10, $0xb8;
	[tilespmem:$0x1E4C0] =	vst v63  }
0xa4: {  	_ =	swait.ge [sflag:s12], $0x4000  }
0xa5: {  	[sflag:s12] =	ssyncset.done $0x0  }
0xa6: {  	[sflag:s12] =	ssyncadd.s32 $0xFFFFC000  }
0xa7: {  	[bflag:$0x0] =	sbarrier.arrive $0xFFFF  }
0xa8: {  	[tilespmem:s0], [sflag:$0x5] =	stream.linear.gather [spmem:s22], $0x2800, $0x38;
	[tilespmem:$0x1E4C0] =	vst v63  }
0xa9: {  	_ =	swait.ge [sflag:s16], $0x2800  }
0xaa: {  	[sflag:s16] =	ssyncset.done $0x0  }
0xab: {  	s18 =	smov.u32 s22;
	s22 =	rddreg [dreg:$0x6];
	[sflag:s16] =	ssyncadd.s32 $0xFFFFD800  }
0xac: {  	[hbm4b:s22+s3] =	stream.linear.scatter [tilespmem:s0], [sflag:$0x4], $0x2800, $0x38;
	[tilespmem:$0x1E4C0] =	vst v63  }
0xad: {  	_ =	swait.ge [sflag:s12], $0x2800  }
0xae: {  	[sflag:s12] =	ssyncset.done $0x0  }
0xaf: {  	[sflag:s12] =	ssyncadd.s32 $0xFFFFD800  }
0xb0: {  	[tilespmem:s0], [sflag:$0x5] =	stream.linear.gather [spmem:s23], $0x2800, $0x38;
	[tilespmem:$0x1E4C0] =	vst v63  }
0xb1: {  	_ =	swait.ge [sflag:s16], $0x2800  }
0xb2: {  	[sflag:s16] =	ssyncset.done $0x0  }
0xb3: {  	s20 =	smov.u32 s23;
	s23 =	rddreg [dreg:$0x7];
	[sflag:s16] =	ssyncadd.s32 $0xFFFFD800  }
0xb4: {  	[hbm4b:s23+s3] =	stream.linear.scatter [tilespmem:s0], [sflag:$0x4], $0x2800, $0x38;
	[tilespmem:$0x1E4C0] =	vst v63  }
0xb5: {  	_ =	swait.ge [sflag:s12], $0x2800  }
0xb6: {  	[sflag:s12] =	ssyncset.done $0x0  }
0xb7: {  	[sflag:s12] =	ssyncadd.s32 $0xFFFFD800  }
0xb8: {  	[tilespmem:s0], [sflag:$0x5] =	stream.linear.gather [spmem:s24], $0x2800, $0x38;
	[tilespmem:$0x1E4C0] =	vst v63  }
0xb9: {  	_ =	swait.ge [sflag:s16], $0x2800  }
0xba: {  	[sflag:s16] =	ssyncset.done $0x0  }
0xbb: {  	s31 =	smov.u32 s24;
	s24 =	rddreg [dreg:$0x8];
	[sflag:s16] =	ssyncadd.s32 $0xFFFFD800  }
0xbc: {  	[hbm4b:s24+s3] =	stream.linear.scatter [tilespmem:s0], [sflag:$0x4], $0x2800, $0x38;
	[tilespmem:$0x1E4C0] =	vst v63  }
0xbd: {  	_ =	swait.ge [sflag:s12], $0x2800  }
0xbe: {  	[sflag:s12] =	ssyncset.done $0x0  }
0xbf: {  	[sflag:s12] =	ssyncadd.s32 $0xFFFFD800  }
0xc0: {  	[tilespmem:s0], [sflag:$0x5] =	stream.linear.gather [spmem:s25], $0x2800, $0x38;
	[tilespmem:$0x1E4C0] =	vst v63  }
0xc1: {  	_ =	swait.ge [sflag:s16], $0x2800  }
0xc2: {  	[sflag:s16] =	ssyncset.done $0x0  }
0xc3: {  	s11 =	rddreg [dreg:$0x9];
	[sflag:s16] =	ssyncadd.s32 $0xFFFFD800  }
0xc4: {  	[hbm4b:s11+s3] =	stream.linear.scatter [tilespmem:s0], [sflag:$0x4], $0x2800, $0x38;
	[tilespmem:$0x1E4C0] =	vst v63  }
0xc5: {  	_ =	swait.ge [sflag:s12], $0x2800  }
0xc6: {  	[sflag:s12] =	ssyncset.done $0x0  }
0xc7: {  	s15 =	rddreg [dreg:$0x13];
	[sflag:s12] =	ssyncadd.s32 $0xFFFFD800  }
0xc8: {  	[tilespmem:s0], [sflag:$0x5] =	stream.linear.gather [spmem:s15], $0x2800, $0x38;
	[tilespmem:$0x1E4C0] =	vst v63  }
0xc9: {  	_ =	swait.ge [sflag:s16], $0x2800  }
0xca: {  	[sflag:s16] =	ssyncset.done $0x0  }
0xcb: {  	s21 =	rddreg [dreg:$0xa];
	[sflag:s16] =	ssyncadd.s32 $0xFFFFD800  }
0xcc: {  	[hbm4b:s21+s3] =	stream.linear.scatter [tilespmem:s0], [sflag:$0x4], $0x2800, $0x38;
	[tilespmem:$0x1E4C0] =	vst v63  }
0xcd: {  	_ =	swait.ge [sflag:s12], $0x2800  }
0xce: {  	[sflag:s12] =	ssyncset.done $0x0  }
0xcf: {  	s22 =	rddreg [dreg:$0x14];
	[sflag:s12] =	ssyncadd.s32 $0xFFFFD800  }
0xd0: {  	[tilespmem:s0], [sflag:$0x5] =	stream.linear.gather [spmem:s22], $0x2800, $0x38;
	[tilespmem:$0x1E4C0] =	vst v63  }
0xd1: {  	_ =	swait.ge [sflag:s16], $0x2800  }
0xd2: {  	[sflag:s16] =	ssyncset.done $0x0  }
0xd3: {  	s23 =	rddreg [dreg:$0xb];
	[sflag:s16] =	ssyncadd.s32 $0xFFFFD800  }
0xd4: {  	[hbm4b:s23+s3] =	stream.linear.scatter [tilespmem:s0], [sflag:$0x4], $0x2800, $0x38;
	[tilespmem:$0x1E4C0] =	vst v63  }
0xd5: {  	_ =	swait.ge [sflag:s12], $0x2800  }
0xd6: {  	[sflag:s12] =	ssyncset.done $0x0  }
0xd7: {  	[sflag:s12] =	ssyncadd.s32 $0xFFFFD800  }
0xd8: {  	[tilespmem:s0], [sflag:$0x5] =	stream.linear.gather [spmem:s26], $0x2800, $0x38;
	[tilespmem:$0x1E4C0] =	vst v63  }
0xd9: {  	_ =	swait.ge [sflag:s16], $0x2800  }
0xda: {  	[sflag:s16] =	ssyncset.done $0x0  }
0xdb: {  	s24 =	rddreg [dreg:$0xc];
	[sflag:s16] =	ssyncadd.s32 $0xFFFFD800  }
0xdc: {  	[hbm4b:s24+s3] =	stream.linear.scatter [tilespmem:s0], [sflag:$0x4], $0x2800, $0x38;
	[tilespmem:$0x1E4C0] =	vst v63  }
0xdd: {  	_ =	swait.ge [sflag:s12], $0x2800  }
0xde: {  	[sflag:s12] =	ssyncset.done $0x0  }
0xdf: {  	s4 =	simm.s32 @!p0 $0x2C00;
	s11 =	simm.s32 @!p0 $0x5;
	[sflag:s12] =	ssyncadd.s32 $0xFFFFD800  }
0xe0: {  	[tilespmem:s4], [sflag:$0x5] =	stream.linear.gather @!p0 [spmem:s28], $0x2800, $0x38;
	[tilespmem:$0x1E4C0] =	vst v63  }
0xe1: {  	_ =	swait.ge @!p0 [sflag:s11], $0x2800  }
0xe2: {  	[sflag:s11] =	ssyncset.done @!p0 $0x0  }
0xe3: {  	s15 =	rddreg [dreg:$0xd];
	[sflag:s11] =	ssyncadd.s32 @!p0 $0xFFFFD800;
	s11 =	simm.s32 @!p0 $0x0  }
0xe4: {  	[hbm4b:s15+s11] =	stream.linear.scatter @!p0 [tilespmem:s4], [sflag:$0x4], $0x2800, $0x38;
	[tilespmem:$0x1E4C0] =	vst v63  }
0xe5: {  	s4 =	simm.s32 @!p0 $0x4  }
0xe6: {  	_ =	swait.ge @!p0 [sflag:s4], $0x2800  }
0xe7: {  	s19 =	smov.u32 s25;
	s17 =	sadd.s32 $0x1, s17;
	s25 =	rddreg [dreg:$0x12]  }
0xe8: {  	p2 =	sne.s32 s17, s25  }
.Ltmp3:
0xe9: {  	_ = 	snop;
	(pc) =	sbr.rel @p2 .LBB2_1-.Ltmp3, $3  }
0xea: {  	_ =	sdelay $0x1  }
0xeb: {  	[sflag:s4] =	ssyncset.done @!p0 $0x0  }
0xec: {  	[sflag:s4] =	ssyncadd.s32 @!p0 $0xFFFFD800  }
0xed: {  	_ =	sfence.sel $0x180000  }
0xee: {  	[bflag:$0x0] =	sbarrier.arrive $0xFFFF  }
0xef: {  	_ =	strace $0x90000047  }
0xf0: {  	s0 =	stileid.u32;
	[bflag:$0x2] =	sbarrier.arrive $0xFFFF  }
0xf1: {  	p0 =	sne.s32 s0, $0x0;
	s0 =	rddreg [dreg:$0x5]  }
0xf2: {  	s0 =	sadd.s32 @!p0 $0x100000, s0  }
0xf3: {  	[sflag:s0] =	ssyncadd.tile.s32 @!p0 $0x1;
	_ =	shalt  }
.Lfunc_end2:
_tile_overlayer_lowered:
.L_overlay_start_2:
0xf4: {  	(tag) =	ssettag $0x2  }
0xf5: {  	s0 =	rddreg [dreg:$0x0];
	s2 =	stileid.u32  }
0xf6: {  	s1 =	rddreg [dreg:$0x1];
	p0 =	sne.s32 s2, $0x0  }
0xf7: {  	s3 =	rddreg [dreg:$0x2];
	[bflag:$0x3] =	sbarrier.arrive $0xFFFF;
	s2 =	simm.s32 @!p0 $0x1C04  }
0xf8: {  	[timem:s3], [sflag:s2] =	dma.local @!p0 [hbm:s0], s1  }
0xf9: {  	s0 =	simm.s32 @!p0 $0x4  }
0xfa: {  	_ =	swait.ge @!p0 [sflag:s0], s1  }
0xfb: {  	s1 =	ssub.s32 @!p0 $0x0, s1;
	[sflag:s0] =	ssyncset.done @!p0 $0x0  }
0xfc: {  	[sflag:s0] =	ssyncadd.s32 @!p0 s1  }
0xfd: {  	[bflag:$0x3] =	sbarrier.arrive $0xFFFF  }
0xfe: {  	_ =	shalt  }

</sc_bundles>
